<compile_context>
chip_gen: v7x
topology: tpu7x:2x2x1
jax: 0.10.2.dev20260603
libtpu: 0.0.44.dev20260713+nightly
codegen_flags: <defaults>
</compile_context>

<pallas_src>
import functools

import jax
import jax.numpy as jnp
from jax import lax
from jax.experimental import pallas as pl
from jax.experimental.pallas import tpu as pltpu
from jax.experimental.pallas import tpu_sc as plsc

F = 26
V = 100000
D = 32
B = 16384
H = 512
O = 128
F28 = 28
T = F28 // 4
NG = B // 8

NW = 32
G_PER_W = NG // NW
CH = 112
NCH = 2 * G_PER_W
NBUF = 2

_sc_mesh = plsc.VectorSubcoreMesh(core_axis_name="c", subcore_axis_name="s")


@functools.partial(
    pl.kernel,
    mesh=_sc_mesh,
    out_type=jax.ShapeDtypeStruct((NG, 56, 128), jnp.float32),
    scratch_types=[
        pltpu.VMEM((NCH, 128), jnp.int32),
        pltpu.VMEM((NBUF, 224, D), jnp.float32),
        [pltpu.SemaphoreType.DMA] * NBUF,
        [pltpu.SemaphoreType.DMA] * NBUF,
    ],
    compiler_params=pltpu.CompilerParams(use_tc_tiling_on_sc=False),
)
def _sc_gather(tab_hbm, idx_hbm, out_hbm, idx_v, rows_v, gsems, ssems):
    wid = lax.axis_index("s") * 2 + lax.axis_index("c")
    pltpu.sync_copy(idx_hbm.at[wid], idx_v)
    g_base = wid * G_PER_W

    def fire_gather(u, b):
        for h in range(2):
            pltpu.async_copy(
                tab_hbm.at[idx_v.at[2 * u + h, pl.ds(0, CH)]],
                rows_v.at[b, pl.ds(h * CH, CH)],
                gsems[b],
            )

    def drain_gather(b):
        for h in range(2):
            pltpu.make_async_copy(
                tab_hbm.at[idx_v.at[h, pl.ds(0, CH)]],
                rows_v.at[b, pl.ds(h * CH, CH)],
                gsems[b],
            ).wait()

    def fire_store(u, b):
        for j in range(4):
            pltpu.async_copy(
                rows_v.at[b, pl.ds(j * 56, 56)],
                out_hbm.at[g_base + u, slice(None), pl.ds(32 * j, 32)],
                ssems[b],
            )

    def drain_store(b):
        for j in range(4):
            pltpu.make_async_copy(
                rows_v.at[b, pl.ds(j * 56, 56)],
                out_hbm.at[0, slice(None), pl.ds(32 * j, 32)],
                ssems[b],
            ).wait()

    for b in range(NBUF - 1):
        fire_gather(b, b)

    @pl.loop(0, G_PER_W // NBUF)
    def _q(q):
        for b in range(NBUF):
            u = q * NBUF + b
            v = u + (NBUF - 1)
            bv = (b + NBUF - 1) % NBUF

            @pl.when(v < G_PER_W)
            def _():
                @pl.when(v >= NBUF)
                def _():
                    drain_store(bv)

                fire_gather(v, bv)

            drain_gather(b)
            fire_store(u, b)

    for b in range(NBUF):
        drain_store(b)


QP = 25088
KW = 3584


def _tr_body(a_ref, b_ref, c_ref, d_ref, out_ref):
    z = jnp.concatenate(
        [a_ref[0], b_ref[0], c_ref[0], d_ref[0]], axis=0
    )
    out_ref[...] = z.T


_tr = pl.pallas_call(
    _tr_body,
    grid=(F, QP // KW),
    in_specs=[
        pl.BlockSpec((1, D, KW), (lambda f, k, q=q: (f, 0, (QP // KW) * q + k)))
        for q in range(4)
    ],
    out_specs=pl.BlockSpec((KW, 128), lambda f, k: ((QP // KW) * f + k, 0)),
    out_shape=jax.ShapeDtypeStruct((F * QP, 128), jnp.float32),
)


TB = 1024
GT = TB // 8


def _mlp_body(x_ref, w1_ref, b1_ref, w2_ref, b2_ref, o_ref):
    def xt(t):
        return x_ref[:, 8 * t:8 * (t + 1), :].reshape(TB, 128)

    acc = jnp.dot(xt(0), w1_ref[0], preferred_element_type=jnp.float32)
    for t in range(1, T):
        acc += jnp.dot(xt(t), w1_ref[t], preferred_element_type=jnp.float32)
    h = jnp.maximum(acc + b1_ref[...], 0.0)
    o_ref[...] = jnp.dot(h, w2_ref[...], preferred_element_type=jnp.float32) + b2_ref[...]


_mlp = pl.pallas_call(
    _mlp_body,
    grid=(B // TB,),
    in_specs=[
        pl.BlockSpec((GT, 56, 128), lambda i: (i, 0, 0)),
        pl.BlockSpec((T, 128, H), lambda i: (0, 0, 0)),
        pl.BlockSpec((1, H), lambda i: (0, 0)),
        pl.BlockSpec((H, O), lambda i: (0, 0)),
        pl.BlockSpec((1, O), lambda i: (0, 0)),
    ],
    out_specs=pl.BlockSpec((TB, O), lambda i: (i, 0)),
    out_shape=jax.ShapeDtypeStruct((B, O), jnp.float32),
)


def kernel(features, tables, W1, b1, W2, b2):
    v = features.astype(jnp.int32)
    offs = (jnp.arange(F, dtype=jnp.int32) * (4 * QP))[None, :]
    fi = offs + 4 * (v % QP) + v // QP
    fi28 = jnp.concatenate([fi, fi[:, 24:26]], axis=1)
    idx = fi28.reshape(NG, 8, T, 4).transpose(0, 3, 2, 1)
    idx = idx.reshape(NW, NCH, CH)
    idx = jnp.pad(idx, ((0, 0), (0, 0), (0, 128 - CH)))
    tT = jnp.transpose(tables, (0, 2, 1))
    tab128 = _tr(tT, tT, tT, tT)
    tab = tab128.reshape(F * 4 * QP, D)
    x3 = _sc_gather(tab, idx)
    w1p = jnp.concatenate(
        [W1, jnp.zeros((T * 128 - F * D, H), jnp.float32)]
    ).reshape(T, 128, H)
    return _mlp(x3, w1p, b1.reshape(1, H), W2, b2.reshape(1, O))

# --- scband reference (transcript-rebuilt; emitter-appended) ---
"""Pipeline reference for scband-network-18124761989568 (READ-ONLY COPY).

The authoritative reference and input builder live on the scoring server;
editing this copy changes nothing except your own understanding.
"""

import jax, jax.numpy as jnp
import numpy as np

N_FIELDS = 26
VOCAB = 100000
EMBED_DIM = 32
BATCH = 16384
HIDDEN = 512
OUT = 128
INPUT_DIM = N_FIELDS * EMBED_DIM


def setup_inputs(seed: int = 0) -> dict:
    key = jax.random.key(seed)
    k_feat, k_tab, k_w1, k_b1, k_w2, k_b2 = jax.random.split(key, 6)
    features = jax.random.randint(k_feat, (BATCH, N_FIELDS), 0, VOCAB, dtype=jnp.int64 if jax.config.jax_enable_x64 else jnp.int32)
    tables = jax.random.normal(k_tab, (N_FIELDS, VOCAB, EMBED_DIM), dtype=jnp.float32) * 0.05
    W1 = jax.random.normal(k_w1, (INPUT_DIM, HIDDEN), dtype=jnp.float32) * (1.0 / np.sqrt(INPUT_DIM))
    b1 = jnp.zeros((HIDDEN,), dtype=jnp.float32)
    W2 = jax.random.normal(k_w2, (HIDDEN, OUT), dtype=jnp.float32) * (1.0 / np.sqrt(HIDDEN))
    b2 = jnp.zeros((OUT,), dtype=jnp.float32)
    return {"features": features, "tables": tables, "W1": W1, "b1": b1, "W2": W2, "b2": b2}


def reference(features, tables, W1, b1, W2, b2):
    # Per-field embedding lookup: for each field i, tables[i][features[:, i]]
    # Vectorized gather over fields, then concat along last axis.
    field_idx = jnp.arange(N_FIELDS)[None, :]  # [1, F]
    emb = tables[field_idx, features]  # [B, F, D]
    x = emb.reshape(features.shape[0], INPUT_DIM)  # concat over fields
    h = jax.nn.relu(x @ W1 + b1)
    y = h @ W2 + b2
    return y

if __name__ == "__main__":
    import jax
    _d = setup_inputs()
    print(jax.jit(kernel)(*tuple(_d.values())))

</pallas_src>

<mosaic_0001>
#map = affine_map<(d0, d1) -> (0, 0)>
#map1 = affine_map<(d0, d1) -> (0, 0, 0)>
module attributes {stable_mosaic.version = 14 : i64} {
  func.func @_sc_gather(%arg0: i32, %arg1: i32, %arg2: memref<2609152x32xf32, #tpu.memory_space<hbm>>, %arg3: memref<32x128x128xi32, #tpu.memory_space<hbm>>, %arg4: memref<2048x56x128xf32, #tpu.memory_space<hbm>>, %arg5: memref<128x128xi32, #tpu.memory_space<vmem>>, %arg6: memref<2x224x32xf32, #tpu.memory_space<vmem>>, %arg7: memref<!tpu.dma_semaphore, #tpu.memory_space<semaphore_mem>>, %arg8: memref<!tpu.dma_semaphore, #tpu.memory_space<semaphore_mem>>, %arg9: memref<!tpu.dma_semaphore, #tpu.memory_space<semaphore_mem>>, %arg10: memref<!tpu.dma_semaphore, #tpu.memory_space<semaphore_mem>>) attributes {dimension_semantics = [#tpu.dimension_semantics<core_parallel>, #tpu.dimension_semantics<subcore_parallel>], iteration_bounds = array<i64: 2, 16>, scalar_prefetch = 0 : i64, scratch_operands = 6 : i64, tpu.core_type = #tpu.core_type<sc_vector_subcore>, window_params = [{transform_indices = #map}, {transform_indices = #map1}, {transform_indices = #map1}]} {
    %mul3A = arith.constant 2 : i32
    %mul3A_0 = arith.muli %arg1, %mul3A : i32
    %add3A = arith.addi %mul3A_0, %arg0 : i32
    "tpu.region"() ({
      %run_scoped3A = tpu.sem_alloc : memref<!tpu.dma_semaphore, #tpu.memory_space<semaphore_mem>>
      %dma_start3A_173 = arith.constant 0 : i32
      %dma_start3A_174 = arith.constant 0 : i32
      %dma_start3A_175 = tpu.memref_slice %arg3[%add3A, %dma_start3A_173, %dma_start3A_174] : memref<32x128x128xi32, #tpu.memory_space<hbm>> -> memref<1x128x128xi32, #tpu.memory_space<hbm>>
      %dma_start3A_176 = tpu.memref_squeeze %dma_start3A_175 : memref<1x128x128xi32, #tpu.memory_space<hbm>> -> memref<128x128xi32, #tpu.memory_space<hbm>>
      %dma_start3A_177 = arith.constant 0 : i32
      %dma_start3A_178 = arith.constant 0 : i32
      %dma_start3A_179 = tpu.memref_slice %arg3[%add3A, %dma_start3A_177, %dma_start3A_178] : memref<32x128x128xi32, #tpu.memory_space<hbm>> -> memref<1x128x128xi32, #tpu.memory_space<hbm>>
      %dma_start3A_180 = tpu.memref_squeeze %dma_start3A_179 : memref<1x128x128xi32, #tpu.memory_space<hbm>> -> memref<128x128xi32, #tpu.memory_space<hbm>>
      tpu.enqueue_dma source(%dma_start3A_180 : memref<128x128xi32, #tpu.memory_space<hbm>>) target(%arg5 : memref<128x128xi32, #tpu.memory_space<vmem>>) target_semaphore(%run_scoped3A : memref<!tpu.dma_semaphore, #tpu.memory_space<semaphore_mem>>)
      %dma_wait3A_181 = arith.constant 0 : i32
      %dma_wait3A_182 = arith.constant 0 : i32
      %dma_wait3A_183 = tpu.memref_slice %arg3[%add3A, %dma_wait3A_181, %dma_wait3A_182] : memref<32x128x128xi32, #tpu.memory_space<hbm>> -> memref<1x128x128xi32, #tpu.memory_space<hbm>>
      %dma_wait3A_184 = tpu.memref_squeeze %dma_wait3A_183 : memref<1x128x128xi32, #tpu.memory_space<hbm>> -> memref<128x128xi32, #tpu.memory_space<hbm>>
      %dma_wait3A_185 = arith.constant 0 : i32
      %dma_wait3A_186 = arith.constant 0 : i32
      %dma_wait3A_187 = tpu.memref_slice %arg3[%add3A, %dma_wait3A_185, %dma_wait3A_186] : memref<32x128x128xi32, #tpu.memory_space<hbm>> -> memref<1x128x128xi32, #tpu.memory_space<hbm>>
      %dma_wait3A_188 = tpu.memref_squeeze %dma_wait3A_187 : memref<1x128x128xi32, #tpu.memory_space<hbm>> -> memref<128x128xi32, #tpu.memory_space<hbm>>
      tpu.wait_dma2 semaphore(%run_scoped3A : memref<!tpu.dma_semaphore, #tpu.memory_space<semaphore_mem>>) src(%dma_wait3A_188 : memref<128x128xi32, #tpu.memory_space<hbm>>) dst(%arg5 : memref<128x128xi32, #tpu.memory_space<vmem>>)
      tpu.yield
    }) : () -> ()
    %mul3A_1 = arith.constant 64 : i32
    %mul3A_2 = arith.muli %add3A, %mul3A_1 : i32
    %dma_start3A = arith.constant 0 : i32
    %dma_start3A_3 = arith.constant 0 : i32
    %dma_start3A_4 = arith.constant 0 : i32
    %dma_start3A_5 = arith.constant 0 : i32
    %dma_start3A_6 = tpu.memref_slice %arg6[%dma_start3A_3, %dma_start3A_4, %dma_start3A_5] : memref<2x224x32xf32, #tpu.memory_space<vmem>> -> memref<1x112x32xf32, #tpu.memory_space<vmem>>
    %dma_start3A_7 = tpu.memref_squeeze %dma_start3A_6 : memref<1x112x32xf32, #tpu.memory_space<vmem>> -> memref<112x32xf32, #tpu.memory_space<vmem>>
    %dma_start3A_8 = arith.constant 0 : i32
    %dma_start3A_9 = tpu.memref_slice %arg5[%dma_start3A, %dma_start3A_8] : memref<128x128xi32, #tpu.memory_space<vmem>> -> memref<1x112xi32, #tpu.memory_space<vmem>>
    %dma_start3A_10 = tpu.memref_squeeze %dma_start3A_9 : memref<1x112xi32, #tpu.memory_space<vmem>> -> memref<112xi32, #tpu.memory_space<vmem>>
    %dma_start3A_11 = arith.constant 0 : i32
    %dma_start3A_12 = arith.constant 0 : i32
    %dma_start3A_13 = tpu.memref_slice %arg2[%dma_start3A_11, %dma_start3A_12] : memref<2609152x32xf32, #tpu.memory_space<hbm>> -> memref<2609152x32xf32, #tpu.memory_space<hbm>>
    tpu.enqueue_indirect_dma source(%dma_start3A_13 : memref<2609152x32xf32, #tpu.memory_space<hbm>>) target(%dma_start3A_7 : memref<112x32xf32, #tpu.memory_space<vmem>>) offsets(%dma_start3A_10 : memref<112xi32, #tpu.memory_space<vmem>>) semaphore(%arg7 : memref<!tpu.dma_semaphore, #tpu.memory_space<semaphore_mem>>)
    %dma_start3A_14 = arith.constant 1 : i32
    %dma_start3A_15 = arith.constant 0 : i32
    %dma_start3A_16 = arith.constant 112 : i32
    %dma_start3A_17 = arith.constant 0 : i32
    %dma_start3A_18 = tpu.memref_slice %arg6[%dma_start3A_15, %dma_start3A_16, %dma_start3A_17] : memref<2x224x32xf32, #tpu.memory_space<vmem>> -> memref<1x112x32xf32, #tpu.memory_space<vmem>>
    %dma_start3A_19 = tpu.memref_squeeze %dma_start3A_18 : memref<1x112x32xf32, #tpu.memory_space<vmem>> -> memref<112x32xf32, #tpu.memory_space<vmem>>
    %dma_start3A_20 = arith.constant 0 : i32
    %dma_start3A_21 = tpu.memref_slice %arg5[%dma_start3A_14, %dma_start3A_20] : memref<128x128xi32, #tpu.memory_space<vmem>> -> memref<1x112xi32, #tpu.memory_space<vmem>>
    %dma_start3A_22 = tpu.memref_squeeze %dma_start3A_21 : memref<1x112xi32, #tpu.memory_space<vmem>> -> memref<112xi32, #tpu.memory_space<vmem>>
    %dma_start3A_23 = arith.constant 0 : i32
    %dma_start3A_24 = arith.constant 0 : i32
    %dma_start3A_25 = tpu.memref_slice %arg2[%dma_start3A_23, %dma_start3A_24] : memref<2609152x32xf32, #tpu.memory_space<hbm>> -> memref<2609152x32xf32, #tpu.memory_space<hbm>>
    tpu.enqueue_indirect_dma source(%dma_start3A_25 : memref<2609152x32xf32, #tpu.memory_space<hbm>>) target(%dma_start3A_19 : memref<112x32xf32, #tpu.memory_space<vmem>>) offsets(%dma_start3A_22 : memref<112xi32, #tpu.memory_space<vmem>>) semaphore(%arg7 : memref<!tpu.dma_semaphore, #tpu.memory_space<semaphore_mem>>)
    %scan3A = arith.constant 0 : i32
    %scan3A_26 = arith.constant 32 : i32
    %scan3A_27 = arith.addi %scan3A, %scan3A_26 : i32
    %scan3A_28 = arith.constant 1 : i32
    scf.for %scan3A_173 = %scan3A to %scan3A_27 step %scan3A_28  : i32 {
      %mul3A_174 = arith.constant 1 : i32
      %mul3A_175 = arith.muli %scan3A_173, %mul3A_174 : i32
      %add3A_176 = arith.constant 0 : i32
      %add3A_177 = arith.addi %add3A_176, %mul3A_175 : i32
      %mul3A_178 = arith.constant 2 : i32
      %mul3A_179 = arith.muli %add3A_177, %mul3A_178 : i32
      %add3A_180 = arith.constant 0 : i32
      %add3A_181 = arith.addi %mul3A_179, %add3A_180 : i32
      %add3A_182 = arith.constant 1 : i32
      %add3A_183 = arith.addi %add3A_181, %add3A_182 : i32
      %lt3A = arith.constant 64 : i32
      %lt3A_184 = arith.cmpi slt, %add3A_183, %lt3A : i32
      %convert_element_type3A = arith.extui %lt3A_184 : i1 to i32
      %cond3A = arith.constant 0 : i32
      %cond3A_185 = arith.cmpi ne, %convert_element_type3A, %cond3A : i32
      scf.if %cond3A_185 {
        %ge3A = arith.constant 2 : i32
        %ge3A_389 = arith.cmpi sge, %add3A_183, %ge3A : i32
        %convert_element_type3A_390 = arith.extui %ge3A_389 : i1 to i32
        %cond3A_391 = arith.constant 0 : i32
        %cond3A_392 = arith.cmpi ne, %convert_element_type3A_390, %cond3A_391 : i32
        scf.if %cond3A_392 {
          %dma_wait3A_423 = arith.constant 1 : i32
          %dma_wait3A_424 = arith.constant 0 : i32
          %dma_wait3A_425 = arith.constant 0 : i32
          %dma_wait3A_426 = arith.constant 0 : i32
          %dma_wait3A_427 = tpu.memref_slice %arg6[%dma_wait3A_423, %dma_wait3A_425, %dma_wait3A_426] : memref<2x224x32xf32, #tpu.memory_space<vmem>> -> memref<1x56x32xf32, #tpu.memory_space<vmem>>
          %dma_wait3A_428 = tpu.memref_squeeze %dma_wait3A_427 : memref<1x56x32xf32, #tpu.memory_space<vmem>> -> memref<56x32xf32, #tpu.memory_space<vmem>>
          %dma_wait3A_429 = arith.constant 0 : i32
          %dma_wait3A_430 = arith.constant 0 : i32
          %dma_wait3A_431 = tpu.memref_slice %arg4[%dma_wait3A_424, %dma_wait3A_429, %dma_wait3A_430] : memref<2048x56x128xf32, #tpu.memory_space<hbm>> -> memref<1x56x32xf32, #tpu.memory_space<hbm>>
          %dma_wait3A_432 = tpu.memref_squeeze %dma_wait3A_431 : memref<1x56x32xf32, #tpu.memory_space<hbm>> -> memref<56x32xf32, #tpu.memory_space<hbm>>
          %dma_wait3A_433 = arith.constant 0 : i32
          %dma_wait3A_434 = arith.constant 0 : i32
          %dma_wait3A_435 = tpu.memref_slice %arg4[%dma_wait3A_424, %dma_wait3A_433, %dma_wait3A_434] : memref<2048x56x128xf32, #tpu.memory_space<hbm>> -> memref<1x56x32xf32, #tpu.memory_space<hbm>>
          %dma_wait3A_436 = tpu.memref_squeeze %dma_wait3A_435 : memref<1x56x32xf32, #tpu.memory_space<hbm>> -> memref<56x32xf32, #tpu.memory_space<hbm>>
          %dma_wait3A_437 = arith.constant 0 : i32
          %dma_wait3A_438 = arith.constant 0 : i32
          %dma_wait3A_439 = tpu.memref_slice %arg6[%dma_wait3A_423, %dma_wait3A_437, %dma_wait3A_438] : memref<2x224x32xf32, #tpu.memory_space<vmem>> -> memref<1x56x32xf32, #tpu.memory_space<vmem>>
          %dma_wait3A_440 = tpu.memref_squeeze %dma_wait3A_439 : memref<1x56x32xf32, #tpu.memory_space<vmem>> -> memref<56x32xf32, #tpu.memory_space<vmem>>
          tpu.wait_dma2 semaphore(%arg10 : memref<!tpu.dma_semaphore, #tpu.memory_space<semaphore_mem>>) src(%dma_wait3A_440 : memref<56x32xf32, #tpu.memory_space<vmem>>) dst(%dma_wait3A_436 : memref<56x32xf32, #tpu.memory_space<hbm>>)
          %dma_wait3A_441 = arith.constant 1 : i32
          %dma_wait3A_442 = arith.constant 0 : i32
          %dma_wait3A_443 = arith.constant 56 : i32
          %dma_wait3A_444 = arith.constant 0 : i32
          %dma_wait3A_445 = tpu.memref_slice %arg6[%dma_wait3A_441, %dma_wait3A_443, %dma_wait3A_444] : memref<2x224x32xf32, #tpu.memory_space<vmem>> -> memref<1x56x32xf32, #tpu.memory_space<vmem>>
          %dma_wait3A_446 = tpu.memref_squeeze %dma_wait3A_445 : memref<1x56x32xf32, #tpu.memory_space<vmem>> -> memref<56x32xf32, #tpu.memory_space<vmem>>
          %dma_wait3A_447 = arith.constant 0 : i32
          %dma_wait3A_448 = arith.constant 32 : i32
          %dma_wait3A_449 = tpu.memref_slice %arg4[%dma_wait3A_442, %dma_wait3A_447, %dma_wait3A_448] : memref<2048x56x128xf32, #tpu.memory_space<hbm>> -> memref<1x56x32xf32, #tpu.memory_space<hbm>>
          %dma_wait3A_450 = tpu.memref_squeeze %dma_wait3A_449 : memref<1x56x32xf32, #tpu.memory_space<hbm>> -> memref<56x32xf32, #tpu.memory_space<hbm>>
          %dma_wait3A_451 = arith.constant 0 : i32
          %dma_wait3A_452 = arith.constant 32 : i32
          %dma_wait3A_453 = tpu.memref_slice %arg4[%dma_wait3A_442, %dma_wait3A_451, %dma_wait3A_452] : memref<2048x56x128xf32, #tpu.memory_space<hbm>> -> memref<1x56x32xf32, #tpu.memory_space<hbm>>
          %dma_wait3A_454 = tpu.memref_squeeze %dma_wait3A_453 : memref<1x56x32xf32, #tpu.memory_space<hbm>> -> memref<56x32xf32, #tpu.memory_space<hbm>>
          %dma_wait3A_455 = arith.constant 56 : i32
          %dma_wait3A_456 = arith.constant 0 : i32
          %dma_wait3A_457 = tpu.memref_slice %arg6[%dma_wait3A_441, %dma_wait3A_455, %dma_wait3A_456] : memref<2x224x32xf32, #tpu.memory_space<vmem>> -> memref<1x56x32xf32, #tpu.memory_space<vmem>>
          %dma_wait3A_458 = tpu.memref_squeeze %dma_wait3A_457 : memref<1x56x32xf32, #tpu.memory_space<vmem>> -> memref<56x32xf32, #tpu.memory_space<vmem>>
          tpu.wait_dma2 semaphore(%arg10 : memref<!tpu.dma_semaphore, #tpu.memory_space<semaphore_mem>>) src(%dma_wait3A_458 : memref<56x32xf32, #tpu.memory_space<vmem>>) dst(%dma_wait3A_454 : memref<56x32xf32, #tpu.memory_space<hbm>>)
          %dma_wait3A_459 = arith.constant 1 : i32
          %dma_wait3A_460 = arith.constant 0 : i32
          %dma_wait3A_461 = arith.constant 112 : i32
          %dma_wait3A_462 = arith.constant 0 : i32
          %dma_wait3A_463 = tpu.memref_slice %arg6[%dma_wait3A_459, %dma_wait3A_461, %dma_wait3A_462] : memref<2x224x32xf32, #tpu.memory_space<vmem>> -> memref<1x56x32xf32, #tpu.memory_space<vmem>>
          %dma_wait3A_464 = tpu.memref_squeeze %dma_wait3A_463 : memref<1x56x32xf32, #tpu.memory_space<vmem>> -> memref<56x32xf32, #tpu.memory_space<vmem>>
          %dma_wait3A_465 = arith.constant 0 : i32
          %dma_wait3A_466 = arith.constant 64 : i32
          %dma_wait3A_467 = tpu.memref_slice %arg4[%dma_wait3A_460, %dma_wait3A_465, %dma_wait3A_466] : memref<2048x56x128xf32, #tpu.memory_space<hbm>> -> memref<1x56x32xf32, #tpu.memory_space<hbm>>
          %dma_wait3A_468 = tpu.memref_squeeze %dma_wait3A_467 : memref<1x56x32xf32, #tpu.memory_space<hbm>> -> memref<56x32xf32, #tpu.memory_space<hbm>>
          %dma_wait3A_469 = arith.constant 0 : i32
          %dma_wait3A_470 = arith.constant 64 : i32
          %dma_wait3A_471 = tpu.memref_slice %arg4[%dma_wait3A_460, %dma_wait3A_469, %dma_wait3A_470] : memref<2048x56x128xf32, #tpu.memory_space<hbm>> -> memref<1x56x32xf32, #tpu.memory_space<hbm>>
          %dma_wait3A_472 = tpu.memref_squeeze %dma_wait3A_471 : memref<1x56x32xf32, #tpu.memory_space<hbm>> -> memref<56x32xf32, #tpu.memory_space<hbm>>
          %dma_wait3A_473 = arith.constant 112 : i32
          %dma_wait3A_474 = arith.constant 0 : i32
          %dma_wait3A_475 = tpu.memref_slice %arg6[%dma_wait3A_459, %dma_wait3A_473, %dma_wait3A_474] : memref<2x224x32xf32, #tpu.memory_space<vmem>> -> memref<1x56x32xf32, #tpu.memory_space<vmem>>
          %dma_wait3A_476 = tpu.memref_squeeze %dma_wait3A_475 : memref<1x56x32xf32, #tpu.memory_space<vmem>> -> memref<56x32xf32, #tpu.memory_space<vmem>>
          tpu.wait_dma2 semaphore(%arg10 : memref<!tpu.dma_semaphore, #tpu.memory_space<semaphore_mem>>) src(%dma_wait3A_476 : memref<56x32xf32, #tpu.memory_space<vmem>>) dst(%dma_wait3A_472 : memref<56x32xf32, #tpu.memory_space<hbm>>)
          %dma_wait3A_477 = arith.constant 1 : i32
          %dma_wait3A_478 = arith.constant 0 : i32
          %dma_wait3A_479 = arith.constant 168 : i32
          %dma_wait3A_480 = arith.constant 0 : i32
          %dma_wait3A_481 = tpu.memref_slice %arg6[%dma_wait3A_477, %dma_wait3A_479, %dma_wait3A_480] : memref<2x224x32xf32, #tpu.memory_space<vmem>> -> memref<1x56x32xf32, #tpu.memory_space<vmem>>
          %dma_wait3A_482 = tpu.memref_squeeze %dma_wait3A_481 : memref<1x56x32xf32, #tpu.memory_space<vmem>> -> memref<56x32xf32, #tpu.memory_space<vmem>>
          %dma_wait3A_483 = arith.constant 0 : i32
          %dma_wait3A_484 = arith.constant 96 : i32
          %dma_wait3A_485 = tpu.memref_slice %arg4[%dma_wait3A_478, %dma_wait3A_483, %dma_wait3A_484] : memref<2048x56x128xf32, #tpu.memory_space<hbm>> -> memref<1x56x32xf32, #tpu.memory_space<hbm>>
          %dma_wait3A_486 = tpu.memref_squeeze %dma_wait3A_485 : memref<1x56x32xf32, #tpu.memory_space<hbm>> -> memref<56x32xf32, #tpu.memory_space<hbm>>
          %dma_wait3A_487 = arith.constant 0 : i32
          %dma_wait3A_488 = arith.constant 96 : i32
          %dma_wait3A_489 = tpu.memref_slice %arg4[%dma_wait3A_478, %dma_wait3A_487, %dma_wait3A_488] : memref<2048x56x128xf32, #tpu.memory_space<hbm>> -> memref<1x56x32xf32, #tpu.memory_space<hbm>>
          %dma_wait3A_490 = tpu.memref_squeeze %dma_wait3A_489 : memref<1x56x32xf32, #tpu.memory_space<hbm>> -> memref<56x32xf32, #tpu.memory_space<hbm>>
          %dma_wait3A_491 = arith.constant 168 : i32
          %dma_wait3A_492 = arith.constant 0 : i32
          %dma_wait3A_493 = tpu.memref_slice %arg6[%dma_wait3A_477, %dma_wait3A_491, %dma_wait3A_492] : memref<2x224x32xf32, #tpu.memory_space<vmem>> -> memref<1x56x32xf32, #tpu.memory_space<vmem>>
          %dma_wait3A_494 = tpu.memref_squeeze %dma_wait3A_493 : memref<1x56x32xf32, #tpu.memory_space<vmem>> -> memref<56x32xf32, #tpu.memory_space<vmem>>
          tpu.wait_dma2 semaphore(%arg10 : memref<!tpu.dma_semaphore, #tpu.memory_space<semaphore_mem>>) src(%dma_wait3A_494 : memref<56x32xf32, #tpu.memory_space<vmem>>) dst(%dma_wait3A_490 : memref<56x32xf32, #tpu.memory_space<hbm>>)
        } else {
        }
        %mul3A_393 = arith.constant 2 : i32
        %mul3A_394 = arith.muli %mul3A_393, %add3A_183 : i32
        %add3A_395 = arith.constant 0 : i32
        %add3A_396 = arith.addi %mul3A_394, %add3A_395 : i32
        %dma_start3A_397 = arith.constant 1 : i32
        %dma_start3A_398 = arith.constant 0 : i32
        %dma_start3A_399 = arith.constant 0 : i32
        %dma_start3A_400 = tpu.memref_slice %arg6[%dma_start3A_397, %dma_start3A_398, %dma_start3A_399] : memref<2x224x32xf32, #tpu.memory_space<vmem>> -> memref<1x112x32xf32, #tpu.memory_space<vmem>>
        %dma_start3A_401 = tpu.memref_squeeze %dma_start3A_400 : memref<1x112x32xf32, #tpu.memory_space<vmem>> -> memref<112x32xf32, #tpu.memory_space<vmem>>
        %dma_start3A_402 = arith.constant 0 : i32
        %dma_start3A_403 = tpu.memref_slice %arg5[%add3A_396, %dma_start3A_402] : memref<128x128xi32, #tpu.memory_space<vmem>> -> memref<1x112xi32, #tpu.memory_space<vmem>>
        %dma_start3A_404 = tpu.memref_squeeze %dma_start3A_403 : memref<1x112xi32, #tpu.memory_space<vmem>> -> memref<112xi32, #tpu.memory_space<vmem>>
        %dma_start3A_405 = arith.constant 0 : i32
        %dma_start3A_406 = arith.constant 0 : i32
        %dma_start3A_407 = tpu.memref_slice %arg2[%dma_start3A_405, %dma_start3A_406] : memref<2609152x32xf32, #tpu.memory_space<hbm>> -> memref<2609152x32xf32, #tpu.memory_space<hbm>>
        tpu.enqueue_indirect_dma source(%dma_start3A_407 : memref<2609152x32xf32, #tpu.memory_space<hbm>>) target(%dma_start3A_401 : memref<112x32xf32, #tpu.memory_space<vmem>>) offsets(%dma_start3A_404 : memref<112xi32, #tpu.memory_space<vmem>>) semaphore(%arg8 : memref<!tpu.dma_semaphore, #tpu.memory_space<semaphore_mem>>)
        %mul3A_408 = arith.constant 2 : i32
        %mul3A_409 = arith.muli %mul3A_408, %add3A_183 : i32
        %add3A_410 = arith.constant 1 : i32
        %add3A_411 = arith.addi %mul3A_409, %add3A_410 : i32
        %dma_start3A_412 = arith.constant 1 : i32
        %dma_start3A_413 = arith.constant 112 : i32
        %dma_start3A_414 = arith.constant 0 : i32
        %dma_start3A_415 = tpu.memref_slice %arg6[%dma_start3A_412, %dma_start3A_413, %dma_start3A_414] : memref<2x224x32xf32, #tpu.memory_space<vmem>> -> memref<1x112x32xf32, #tpu.memory_space<vmem>>
        %dma_start3A_416 = tpu.memref_squeeze %dma_start3A_415 : memref<1x112x32xf32, #tpu.memory_space<vmem>> -> memref<112x32xf32, #tpu.memory_space<vmem>>
        %dma_start3A_417 = arith.constant 0 : i32
        %dma_start3A_418 = tpu.memref_slice %arg5[%add3A_411, %dma_start3A_417] : memref<128x128xi32, #tpu.memory_space<vmem>> -> memref<1x112xi32, #tpu.memory_space<vmem>>
        %dma_start3A_419 = tpu.memref_squeeze %dma_start3A_418 : memref<1x112xi32, #tpu.memory_space<vmem>> -> memref<112xi32, #tpu.memory_space<vmem>>
        %dma_start3A_420 = arith.constant 0 : i32
        %dma_start3A_421 = arith.constant 0 : i32
        %dma_start3A_422 = tpu.memref_slice %arg2[%dma_start3A_420, %dma_start3A_421] : memref<2609152x32xf32, #tpu.memory_space<hbm>> -> memref<2609152x32xf32, #tpu.memory_space<hbm>>
        tpu.enqueue_indirect_dma source(%dma_start3A_422 : memref<2609152x32xf32, #tpu.memory_space<hbm>>) target(%dma_start3A_416 : memref<112x32xf32, #tpu.memory_space<vmem>>) offsets(%dma_start3A_419 : memref<112xi32, #tpu.memory_space<vmem>>) semaphore(%arg8 : memref<!tpu.dma_semaphore, #tpu.memory_space<semaphore_mem>>)
      } else {
      }
      %dma_wait3A_186 = arith.constant 0 : i32
      %dma_wait3A_187 = arith.constant 0 : i32
      %dma_wait3A_188 = arith.constant 0 : i32
      %dma_wait3A_189 = arith.constant 0 : i32
      %dma_wait3A_190 = tpu.memref_slice %arg6[%dma_wait3A_187, %dma_wait3A_188, %dma_wait3A_189] : memref<2x224x32xf32, #tpu.memory_space<vmem>> -> memref<1x112x32xf32, #tpu.memory_space<vmem>>
      %dma_wait3A_191 = tpu.memref_squeeze %dma_wait3A_190 : memref<1x112x32xf32, #tpu.memory_space<vmem>> -> memref<112x32xf32, #tpu.memory_space<vmem>>
      %dma_wait3A_192 = arith.constant 0 : i32
      %dma_wait3A_193 = tpu.memref_slice %arg5[%dma_wait3A_186, %dma_wait3A_192] : memref<128x128xi32, #tpu.memory_space<vmem>> -> memref<1x112xi32, #tpu.memory_space<vmem>>
      %dma_wait3A_194 = tpu.memref_squeeze %dma_wait3A_193 : memref<1x112xi32, #tpu.memory_space<vmem>> -> memref<112xi32, #tpu.memory_space<vmem>>
      %dma_wait3A_195 = arith.constant 0 : i32
      %dma_wait3A_196 = arith.constant 0 : i32
      %dma_wait3A_197 = tpu.memref_slice %arg2[%dma_wait3A_195, %dma_wait3A_196] : memref<2609152x32xf32, #tpu.memory_space<hbm>> -> memref<2609152x32xf32, #tpu.memory_space<hbm>>
      tpu.wait_indirect_dma semaphore(%arg7 : memref<!tpu.dma_semaphore, #tpu.memory_space<semaphore_mem>>) src(%dma_wait3A_197 : memref<2609152x32xf32, #tpu.memory_space<hbm>>) dst(%dma_wait3A_191 : memref<112x32xf32, #tpu.memory_space<vmem>>)
      %dma_wait3A_198 = arith.constant 1 : i32
      %dma_wait3A_199 = arith.constant 0 : i32
      %dma_wait3A_200 = arith.constant 112 : i32
      %dma_wait3A_201 = arith.constant 0 : i32
      %dma_wait3A_202 = tpu.memref_slice %arg6[%dma_wait3A_199, %dma_wait3A_200, %dma_wait3A_201] : memref<2x224x32xf32, #tpu.memory_space<vmem>> -> memref<1x112x32xf32, #tpu.memory_space<vmem>>
      %dma_wait3A_203 = tpu.memref_squeeze %dma_wait3A_202 : memref<1x112x32xf32, #tpu.memory_space<vmem>> -> memref<112x32xf32, #tpu.memory_space<vmem>>
      %dma_wait3A_204 = arith.constant 0 : i32
      %dma_wait3A_205 = tpu.memref_slice %arg5[%dma_wait3A_198, %dma_wait3A_204] : memref<128x128xi32, #tpu.memory_space<vmem>> -> memref<1x112xi32, #tpu.memory_space<vmem>>
      %dma_wait3A_206 = tpu.memref_squeeze %dma_wait3A_205 : memref<1x112xi32, #tpu.memory_space<vmem>> -> memref<112xi32, #tpu.memory_space<vmem>>
      %dma_wait3A_207 = arith.constant 0 : i32
      %dma_wait3A_208 = arith.constant 0 : i32
      %dma_wait3A_209 = tpu.memref_slice %arg2[%dma_wait3A_207, %dma_wait3A_208] : memref<2609152x32xf32, #tpu.memory_space<hbm>> -> memref<2609152x32xf32, #tpu.memory_space<hbm>>
      tpu.wait_indirect_dma semaphore(%arg7 : memref<!tpu.dma_semaphore, #tpu.memory_space<semaphore_mem>>) src(%dma_wait3A_209 : memref<2609152x32xf32, #tpu.memory_space<hbm>>) dst(%dma_wait3A_203 : memref<112x32xf32, #tpu.memory_space<vmem>>)
      %add3A_210 = arith.addi %mul3A_2, %add3A_181 : i32
      %dma_start3A_211 = arith.constant 0 : i32
      %dma_start3A_212 = arith.constant 0 : i32
      %dma_start3A_213 = arith.constant 0 : i32
      %dma_start3A_214 = tpu.memref_slice %arg6[%dma_start3A_211, %dma_start3A_212, %dma_start3A_213] : memref<2x224x32xf32, #tpu.memory_space<vmem>> -> memref<1x56x32xf32, #tpu.memory_space<vmem>>
      %dma_start3A_215 = tpu.memref_squeeze %dma_start3A_214 : memref<1x56x32xf32, #tpu.memory_space<vmem>> -> memref<56x32xf32, #tpu.memory_space<vmem>>
      %dma_start3A_216 = arith.constant 0 : i32
      %dma_start3A_217 = arith.constant 0 : i32
      %dma_start3A_218 = tpu.memref_slice %arg4[%add3A_210, %dma_start3A_216, %dma_start3A_217] : memref<2048x56x128xf32, #tpu.memory_space<hbm>> -> memref<1x56x32xf32, #tpu.memory_space<hbm>>
      %dma_start3A_219 = tpu.memref_squeeze %dma_start3A_218 : memref<1x56x32xf32, #tpu.memory_space<hbm>> -> memref<56x32xf32, #tpu.memory_space<hbm>>
      %dma_start3A_220 = arith.constant 0 : i32
      %dma_start3A_221 = arith.constant 0 : i32
      %dma_start3A_222 = tpu.memref_slice %arg4[%add3A_210, %dma_start3A_220, %dma_start3A_221] : memref<2048x56x128xf32, #tpu.memory_space<hbm>> -> memref<1x56x32xf32, #tpu.memory_space<hbm>>
      %dma_start3A_223 = tpu.memref_squeeze %dma_start3A_222 : memref<1x56x32xf32, #tpu.memory_space<hbm>> -> memref<56x32xf32, #tpu.memory_space<hbm>>
      %dma_start3A_224 = arith.constant 0 : i32
      %dma_start3A_225 = arith.constant 0 : i32
      %dma_start3A_226 = tpu.memref_slice %arg6[%dma_start3A_211, %dma_start3A_224, %dma_start3A_225] : memref<2x224x32xf32, #tpu.memory_space<vmem>> -> memref<1x56x32xf32, #tpu.memory_space<vmem>>
      %dma_start3A_227 = tpu.memref_squeeze %dma_start3A_226 : memref<1x56x32xf32, #tpu.memory_space<vmem>> -> memref<56x32xf32, #tpu.memory_space<vmem>>
      tpu.enqueue_dma source(%dma_start3A_227 : memref<56x32xf32, #tpu.memory_space<vmem>>) target(%dma_start3A_223 : memref<56x32xf32, #tpu.memory_space<hbm>>) target_semaphore(%arg9 : memref<!tpu.dma_semaphore, #tpu.memory_space<semaphore_mem>>)
      %add3A_228 = arith.addi %mul3A_2, %add3A_181 : i32
      %dma_start3A_229 = arith.constant 0 : i32
      %dma_start3A_230 = arith.constant 56 : i32
      %dma_start3A_231 = arith.constant 0 : i32
      %dma_start3A_232 = tpu.memref_slice %arg6[%dma_start3A_229, %dma_start3A_230, %dma_start3A_231] : memref<2x224x32xf32, #tpu.memory_space<vmem>> -> memref<1x56x32xf32, #tpu.memory_space<vmem>>
      %dma_start3A_233 = tpu.memref_squeeze %dma_start3A_232 : memref<1x56x32xf32, #tpu.memory_space<vmem>> -> memref<56x32xf32, #tpu.memory_space<vmem>>
      %dma_start3A_234 = arith.constant 0 : i32
      %dma_start3A_235 = arith.constant 32 : i32
      %dma_start3A_236 = tpu.memref_slice %arg4[%add3A_228, %dma_start3A_234, %dma_start3A_235] : memref<2048x56x128xf32, #tpu.memory_space<hbm>> -> memref<1x56x32xf32, #tpu.memory_space<hbm>>
      %dma_start3A_237 = tpu.memref_squeeze %dma_start3A_236 : memref<1x56x32xf32, #tpu.memory_space<hbm>> -> memref<56x32xf32, #tpu.memory_space<hbm>>
      %dma_start3A_238 = arith.constant 0 : i32
      %dma_start3A_239 = arith.constant 32 : i32
      %dma_start3A_240 = tpu.memref_slice %arg4[%add3A_228, %dma_start3A_238, %dma_start3A_239] : memref<2048x56x128xf32, #tpu.memory_space<hbm>> -> memref<1x56x32xf32, #tpu.memory_space<hbm>>
      %dma_start3A_241 = tpu.memref_squeeze %dma_start3A_240 : memref<1x56x32xf32, #tpu.memory_space<hbm>> -> memref<56x32xf32, #tpu.memory_space<hbm>>
      %dma_start3A_242 = arith.constant 56 : i32
      %dma_start3A_243 = arith.constant 0 : i32
      %dma_start3A_244 = tpu.memref_slice %arg6[%dma_start3A_229, %dma_start3A_242, %dma_start3A_243] : memref<2x224x32xf32, #tpu.memory_space<vmem>> -> memref<1x56x32xf32, #tpu.memory_space<vmem>>
      %dma_start3A_245 = tpu.memref_squeeze %dma_start3A_244 : memref<1x56x32xf32, #tpu.memory_space<vmem>> -> memref<56x32xf32, #tpu.memory_space<vmem>>
      tpu.enqueue_dma source(%dma_start3A_245 : memref<56x32xf32, #tpu.memory_space<vmem>>) target(%dma_start3A_241 : memref<56x32xf32, #tpu.memory_space<hbm>>) target_semaphore(%arg9 : memref<!tpu.dma_semaphore, #tpu.memory_space<semaphore_mem>>)
      %add3A_246 = arith.addi %mul3A_2, %add3A_181 : i32
      %dma_start3A_247 = arith.constant 0 : i32
      %dma_start3A_248 = arith.constant 112 : i32
      %dma_start3A_249 = arith.constant 0 : i32
      %dma_start3A_250 = tpu.memref_slice %arg6[%dma_start3A_247, %dma_start3A_248, %dma_start3A_249] : memref<2x224x32xf32, #tpu.memory_space<vmem>> -> memref<1x56x32xf32, #tpu.memory_space<vmem>>
      %dma_start3A_251 = tpu.memref_squeeze %dma_start3A_250 : memref<1x56x32xf32, #tpu.memory_space<vmem>> -> memref<56x32xf32, #tpu.memory_space<vmem>>
      %dma_start3A_252 = arith.constant 0 : i32
      %dma_start3A_253 = arith.constant 64 : i32
      %dma_start3A_254 = tpu.memref_slice %arg4[%add3A_246, %dma_start3A_252, %dma_start3A_253] : memref<2048x56x128xf32, #tpu.memory_space<hbm>> -> memref<1x56x32xf32, #tpu.memory_space<hbm>>
      %dma_start3A_255 = tpu.memref_squeeze %dma_start3A_254 : memref<1x56x32xf32, #tpu.memory_space<hbm>> -> memref<56x32xf32, #tpu.memory_space<hbm>>
      %dma_start3A_256 = arith.constant 0 : i32
      %dma_start3A_257 = arith.constant 64 : i32
      %dma_start3A_258 = tpu.memref_slice %arg4[%add3A_246, %dma_start3A_256, %dma_start3A_257] : memref<2048x56x128xf32, #tpu.memory_space<hbm>> -> memref<1x56x32xf32, #tpu.memory_space<hbm>>
      %dma_start3A_259 = tpu.memref_squeeze %dma_start3A_258 : memref<1x56x32xf32, #tpu.memory_space<hbm>> -> memref<56x32xf32, #tpu.memory_space<hbm>>
      %dma_start3A_260 = arith.constant 112 : i32
      %dma_start3A_261 = arith.constant 0 : i32
      %dma_start3A_262 = tpu.memref_slice %arg6[%dma_start3A_247, %dma_start3A_260, %dma_start3A_261] : memref<2x224x32xf32, #tpu.memory_space<vmem>> -> memref<1x56x32xf32, #tpu.memory_space<vmem>>
      %dma_start3A_263 = tpu.memref_squeeze %dma_start3A_262 : memref<1x56x32xf32, #tpu.memory_space<vmem>> -> memref<56x32xf32, #tpu.memory_space<vmem>>
      tpu.enqueue_dma source(%dma_start3A_263 : memref<56x32xf32, #tpu.memory_space<vmem>>) target(%dma_start3A_259 : memref<56x32xf32, #tpu.memory_space<hbm>>) target_semaphore(%arg9 : memref<!tpu.dma_semaphore, #tpu.memory_space<semaphore_mem>>)
      %add3A_264 = arith.addi %mul3A_2, %add3A_181 : i32
      %dma_start3A_265 = arith.constant 0 : i32
      %dma_start3A_266 = arith.constant 168 : i32
      %dma_start3A_267 = arith.constant 0 : i32
      %dma_start3A_268 = tpu.memref_slice %arg6[%dma_start3A_265, %dma_start3A_266, %dma_start3A_267] : memref<2x224x32xf32, #tpu.memory_space<vmem>> -> memref<1x56x32xf32, #tpu.memory_space<vmem>>
      %dma_start3A_269 = tpu.memref_squeeze %dma_start3A_268 : memref<1x56x32xf32, #tpu.memory_space<vmem>> -> memref<56x32xf32, #tpu.memory_space<vmem>>
      %dma_start3A_270 = arith.constant 0 : i32
      %dma_start3A_271 = arith.constant 96 : i32
      %dma_start3A_272 = tpu.memref_slice %arg4[%add3A_264, %dma_start3A_270, %dma_start3A_271] : memref<2048x56x128xf32, #tpu.memory_space<hbm>> -> memref<1x56x32xf32, #tpu.memory_space<hbm>>
      %dma_start3A_273 = tpu.memref_squeeze %dma_start3A_272 : memref<1x56x32xf32, #tpu.memory_space<hbm>> -> memref<56x32xf32, #tpu.memory_space<hbm>>
      %dma_start3A_274 = arith.constant 0 : i32
      %dma_start3A_275 = arith.constant 96 : i32
      %dma_start3A_276 = tpu.memref_slice %arg4[%add3A_264, %dma_start3A_274, %dma_start3A_275] : memref<2048x56x128xf32, #tpu.memory_space<hbm>> -> memref<1x56x32xf32, #tpu.memory_space<hbm>>
      %dma_start3A_277 = tpu.memref_squeeze %dma_start3A_276 : memref<1x56x32xf32, #tpu.memory_space<hbm>> -> memref<56x32xf32, #tpu.memory_space<hbm>>
      %dma_start3A_278 = arith.constant 168 : i32
      %dma_start3A_279 = arith.constant 0 : i32
      %dma_start3A_280 = tpu.memref_slice %arg6[%dma_start3A_265, %dma_start3A_278, %dma_start3A_279] : memref<2x224x32xf32, #tpu.memory_space<vmem>> -> memref<1x56x32xf32, #tpu.memory_space<vmem>>
      %dma_start3A_281 = tpu.memref_squeeze %dma_start3A_280 : memref<1x56x32xf32, #tpu.memory_space<vmem>> -> memref<56x32xf32, #tpu.memory_space<vmem>>
      tpu.enqueue_dma source(%dma_start3A_281 : memref<56x32xf32, #tpu.memory_space<vmem>>) target(%dma_start3A_277 : memref<56x32xf32, #tpu.memory_space<hbm>>) target_semaphore(%arg9 : memref<!tpu.dma_semaphore, #tpu.memory_space<semaphore_mem>>)
      %mul3A_282 = arith.constant 2 : i32
      %mul3A_283 = arith.muli %add3A_177, %mul3A_282 : i32
      %add3A_284 = arith.constant 1 : i32
      %add3A_285 = arith.addi %mul3A_283, %add3A_284 : i32
      %add3A_286 = arith.constant 1 : i32
      %add3A_287 = arith.addi %add3A_285, %add3A_286 : i32
      %lt3A_288 = arith.constant 64 : i32
      %lt3A_289 = arith.cmpi slt, %add3A_287, %lt3A_288 : i32
      %convert_element_type3A_290 = arith.extui %lt3A_289 : i1 to i32
      %cond3A_291 = arith.constant 0 : i32
      %cond3A_292 = arith.cmpi ne, %convert_element_type3A_290, %cond3A_291 : i32
      scf.if %cond3A_292 {
        %ge3A = arith.constant 2 : i32
        %ge3A_389 = arith.cmpi sge, %add3A_287, %ge3A : i32
        %convert_element_type3A_390 = arith.extui %ge3A_389 : i1 to i32
        %cond3A_391 = arith.constant 0 : i32
        %cond3A_392 = arith.cmpi ne, %convert_element_type3A_390, %cond3A_391 : i32
        scf.if %cond3A_392 {
          %dma_wait3A_423 = arith.constant 0 : i32
          %dma_wait3A_424 = arith.constant 0 : i32
          %dma_wait3A_425 = arith.constant 0 : i32
          %dma_wait3A_426 = arith.constant 0 : i32
          %dma_wait3A_427 = tpu.memref_slice %arg6[%dma_wait3A_423, %dma_wait3A_425, %dma_wait3A_426] : memref<2x224x32xf32, #tpu.memory_space<vmem>> -> memref<1x56x32xf32, #tpu.memory_space<vmem>>
          %dma_wait3A_428 = tpu.memref_squeeze %dma_wait3A_427 : memref<1x56x32xf32, #tpu.memory_space<vmem>> -> memref<56x32xf32, #tpu.memory_space<vmem>>
          %dma_wait3A_429 = arith.constant 0 : i32
          %dma_wait3A_430 = arith.constant 0 : i32
          %dma_wait3A_431 = tpu.memref_slice %arg4[%dma_wait3A_424, %dma_wait3A_429, %dma_wait3A_430] : memref<2048x56x128xf32, #tpu.memory_space<hbm>> -> memref<1x56x32xf32, #tpu.memory_space<hbm>>
          %dma_wait3A_432 = tpu.memref_squeeze %dma_wait3A_431 : memref<1x56x32xf32, #tpu.memory_space<hbm>> -> memref<56x32xf32, #tpu.memory_space<hbm>>
          %dma_wait3A_433 = arith.constant 0 : i32
          %dma_wait3A_434 = arith.constant 0 : i32
          %dma_wait3A_435 = tpu.memref_slice %arg4[%dma_wait3A_424, %dma_wait3A_433, %dma_wait3A_434] : memref<2048x56x128xf32, #tpu.memory_space<hbm>> -> memref<1x56x32xf32, #tpu.memory_space<hbm>>
          %dma_wait3A_436 = tpu.memref_squeeze %dma_wait3A_435 : memref<1x56x32xf32, #tpu.memory_space<hbm>> -> memref<56x32xf32, #tpu.memory_space<hbm>>
          %dma_wait3A_437 = arith.constant 0 : i32
          %dma_wait3A_438 = arith.constant 0 : i32
          %dma_wait3A_439 = tpu.memref_slice %arg6[%dma_wait3A_423, %dma_wait3A_437, %dma_wait3A_438] : memref<2x224x32xf32, #tpu.memory_space<vmem>> -> memref<1x56x32xf32, #tpu.memory_space<vmem>>
          %dma_wait3A_440 = tpu.memref_squeeze %dma_wait3A_439 : memref<1x56x32xf32, #tpu.memory_space<vmem>> -> memref<56x32xf32, #tpu.memory_space<vmem>>
          tpu.wait_dma2 semaphore(%arg9 : memref<!tpu.dma_semaphore, #tpu.memory_space<semaphore_mem>>) src(%dma_wait3A_440 : memref<56x32xf32, #tpu.memory_space<vmem>>) dst(%dma_wait3A_436 : memref<56x32xf32, #tpu.memory_space<hbm>>)
          %dma_wait3A_441 = arith.constant 0 : i32
          %dma_wait3A_442 = arith.constant 0 : i32
          %dma_wait3A_443 = arith.constant 56 : i32
          %dma_wait3A_444 = arith.constant 0 : i32
          %dma_wait3A_445 = tpu.memref_slice %arg6[%dma_wait3A_441, %dma_wait3A_443, %dma_wait3A_444] : memref<2x224x32xf32, #tpu.memory_space<vmem>> -> memref<1x56x32xf32, #tpu.memory_space<vmem>>
          %dma_wait3A_446 = tpu.memref_squeeze %dma_wait3A_445 : memref<1x56x32xf32, #tpu.memory_space<vmem>> -> memref<56x32xf32, #tpu.memory_space<vmem>>
          %dma_wait3A_447 = arith.constant 0 : i32
          %dma_wait3A_448 = arith.constant 32 : i32
          %dma_wait3A_449 = tpu.memref_slice %arg4[%dma_wait3A_442, %dma_wait3A_447, %dma_wait3A_448] : memref<2048x56x128xf32, #tpu.memory_space<hbm>> -> memref<1x56x32xf32, #tpu.memory_space<hbm>>
          %dma_wait3A_450 = tpu.memref_squeeze %dma_wait3A_449 : memref<1x56x32xf32, #tpu.memory_space<hbm>> -> memref<56x32xf32, #tpu.memory_space<hbm>>
          %dma_wait3A_451 = arith.constant 0 : i32
          %dma_wait3A_452 = arith.constant 32 : i32
          %dma_wait3A_453 = tpu.memref_slice %arg4[%dma_wait3A_442, %dma_wait3A_451, %dma_wait3A_452] : memref<2048x56x128xf32, #tpu.memory_space<hbm>> -> memref<1x56x32xf32, #tpu.memory_space<hbm>>
          %dma_wait3A_454 = tpu.memref_squeeze %dma_wait3A_453 : memref<1x56x32xf32, #tpu.memory_space<hbm>> -> memref<56x32xf32, #tpu.memory_space<hbm>>
          %dma_wait3A_455 = arith.constant 56 : i32
          %dma_wait3A_456 = arith.constant 0 : i32
          %dma_wait3A_457 = tpu.memref_slice %arg6[%dma_wait3A_441, %dma_wait3A_455, %dma_wait3A_456] : memref<2x224x32xf32, #tpu.memory_space<vmem>> -> memref<1x56x32xf32, #tpu.memory_space<vmem>>
          %dma_wait3A_458 = tpu.memref_squeeze %dma_wait3A_457 : memref<1x56x32xf32, #tpu.memory_space<vmem>> -> memref<56x32xf32, #tpu.memory_space<vmem>>
          tpu.wait_dma2 semaphore(%arg9 : memref<!tpu.dma_semaphore, #tpu.memory_space<semaphore_mem>>) src(%dma_wait3A_458 : memref<56x32xf32, #tpu.memory_space<vmem>>) dst(%dma_wait3A_454 : memref<56x32xf32, #tpu.memory_space<hbm>>)
          %dma_wait3A_459 = arith.constant 0 : i32
          %dma_wait3A_460 = arith.constant 0 : i32
          %dma_wait3A_461 = arith.constant 112 : i32
          %dma_wait3A_462 = arith.constant 0 : i32
          %dma_wait3A_463 = tpu.memref_slice %arg6[%dma_wait3A_459, %dma_wait3A_461, %dma_wait3A_462] : memref<2x224x32xf32, #tpu.memory_space<vmem>> -> memref<1x56x32xf32, #tpu.memory_space<vmem>>
          %dma_wait3A_464 = tpu.memref_squeeze %dma_wait3A_463 : memref<1x56x32xf32, #tpu.memory_space<vmem>> -> memref<56x32xf32, #tpu.memory_space<vmem>>
          %dma_wait3A_465 = arith.constant 0 : i32
          %dma_wait3A_466 = arith.constant 64 : i32
          %dma_wait3A_467 = tpu.memref_slice %arg4[%dma_wait3A_460, %dma_wait3A_465, %dma_wait3A_466] : memref<2048x56x128xf32, #tpu.memory_space<hbm>> -> memref<1x56x32xf32, #tpu.memory_space<hbm>>
          %dma_wait3A_468 = tpu.memref_squeeze %dma_wait3A_467 : memref<1x56x32xf32, #tpu.memory_space<hbm>> -> memref<56x32xf32, #tpu.memory_space<hbm>>
          %dma_wait3A_469 = arith.constant 0 : i32
          %dma_wait3A_470 = arith.constant 64 : i32
          %dma_wait3A_471 = tpu.memref_slice %arg4[%dma_wait3A_460, %dma_wait3A_469, %dma_wait3A_470] : memref<2048x56x128xf32, #tpu.memory_space<hbm>> -> memref<1x56x32xf32, #tpu.memory_space<hbm>>
          %dma_wait3A_472 = tpu.memref_squeeze %dma_wait3A_471 : memref<1x56x32xf32, #tpu.memory_space<hbm>> -> memref<56x32xf32, #tpu.memory_space<hbm>>
          %dma_wait3A_473 = arith.constant 112 : i32
          %dma_wait3A_474 = arith.constant 0 : i32
          %dma_wait3A_475 = tpu.memref_slice %arg6[%dma_wait3A_459, %dma_wait3A_473, %dma_wait3A_474] : memref<2x224x32xf32, #tpu.memory_space<vmem>> -> memref<1x56x32xf32, #tpu.memory_space<vmem>>
          %dma_wait3A_476 = tpu.memref_squeeze %dma_wait3A_475 : memref<1x56x32xf32, #tpu.memory_space<vmem>> -> memref<56x32xf32, #tpu.memory_space<vmem>>
          tpu.wait_dma2 semaphore(%arg9 : memref<!tpu.dma_semaphore, #tpu.memory_space<semaphore_mem>>) src(%dma_wait3A_476 : memref<56x32xf32, #tpu.memory_space<vmem>>) dst(%dma_wait3A_472 : memref<56x32xf32, #tpu.memory_space<hbm>>)
          %dma_wait3A_477 = arith.constant 0 : i32
          %dma_wait3A_478 = arith.constant 0 : i32
          %dma_wait3A_479 = arith.constant 168 : i32
          %dma_wait3A_480 = arith.constant 0 : i32
          %dma_wait3A_481 = tpu.memref_slice %arg6[%dma_wait3A_477, %dma_wait3A_479, %dma_wait3A_480] : memref<2x224x32xf32, #tpu.memory_space<vmem>> -> memref<1x56x32xf32, #tpu.memory_space<vmem>>
          %dma_wait3A_482 = tpu.memref_squeeze %dma_wait3A_481 : memref<1x56x32xf32, #tpu.memory_space<vmem>> -> memref<56x32xf32, #tpu.memory_space<vmem>>
          %dma_wait3A_483 = arith.constant 0 : i32
          %dma_wait3A_484 = arith.constant 96 : i32
          %dma_wait3A_485 = tpu.memref_slice %arg4[%dma_wait3A_478, %dma_wait3A_483, %dma_wait3A_484] : memref<2048x56x128xf32, #tpu.memory_space<hbm>> -> memref<1x56x32xf32, #tpu.memory_space<hbm>>
          %dma_wait3A_486 = tpu.memref_squeeze %dma_wait3A_485 : memref<1x56x32xf32, #tpu.memory_space<hbm>> -> memref<56x32xf32, #tpu.memory_space<hbm>>
          %dma_wait3A_487 = arith.constant 0 : i32
          %dma_wait3A_488 = arith.constant 96 : i32
          %dma_wait3A_489 = tpu.memref_slice %arg4[%dma_wait3A_478, %dma_wait3A_487, %dma_wait3A_488] : memref<2048x56x128xf32, #tpu.memory_space<hbm>> -> memref<1x56x32xf32, #tpu.memory_space<hbm>>
          %dma_wait3A_490 = tpu.memref_squeeze %dma_wait3A_489 : memref<1x56x32xf32, #tpu.memory_space<hbm>> -> memref<56x32xf32, #tpu.memory_space<hbm>>
          %dma_wait3A_491 = arith.constant 168 : i32
          %dma_wait3A_492 = arith.constant 0 : i32
          %dma_wait3A_493 = tpu.memref_slice %arg6[%dma_wait3A_477, %dma_wait3A_491, %dma_wait3A_492] : memref<2x224x32xf32, #tpu.memory_space<vmem>> -> memref<1x56x32xf32, #tpu.memory_space<vmem>>
          %dma_wait3A_494 = tpu.memref_squeeze %dma_wait3A_493 : memref<1x56x32xf32, #tpu.memory_space<vmem>> -> memref<56x32xf32, #tpu.memory_space<vmem>>
          tpu.wait_dma2 semaphore(%arg9 : memref<!tpu.dma_semaphore, #tpu.memory_space<semaphore_mem>>) src(%dma_wait3A_494 : memref<56x32xf32, #tpu.memory_space<vmem>>) dst(%dma_wait3A_490 : memref<56x32xf32, #tpu.memory_space<hbm>>)
        } else {
        }
        %mul3A_393 = arith.constant 2 : i32
        %mul3A_394 = arith.muli %mul3A_393, %add3A_287 : i32
        %add3A_395 = arith.constant 0 : i32
        %add3A_396 = arith.addi %mul3A_394, %add3A_395 : i32
        %dma_start3A_397 = arith.constant 0 : i32
        %dma_start3A_398 = arith.constant 0 : i32
        %dma_start3A_399 = arith.constant 0 : i32
        %dma_start3A_400 = tpu.memref_slice %arg6[%dma_start3A_397, %dma_start3A_398, %dma_start3A_399] : memref<2x224x32xf32, #tpu.memory_space<vmem>> -> memref<1x112x32xf32, #tpu.memory_space<vmem>>
        %dma_start3A_401 = tpu.memref_squeeze %dma_start3A_400 : memref<1x112x32xf32, #tpu.memory_space<vmem>> -> memref<112x32xf32, #tpu.memory_space<vmem>>
        %dma_start3A_402 = arith.constant 0 : i32
        %dma_start3A_403 = tpu.memref_slice %arg5[%add3A_396, %dma_start3A_402] : memref<128x128xi32, #tpu.memory_space<vmem>> -> memref<1x112xi32, #tpu.memory_space<vmem>>
        %dma_start3A_404 = tpu.memref_squeeze %dma_start3A_403 : memref<1x112xi32, #tpu.memory_space<vmem>> -> memref<112xi32, #tpu.memory_space<vmem>>
        %dma_start3A_405 = arith.constant 0 : i32
        %dma_start3A_406 = arith.constant 0 : i32
        %dma_start3A_407 = tpu.memref_slice %arg2[%dma_start3A_405, %dma_start3A_406] : memref<2609152x32xf32, #tpu.memory_space<hbm>> -> memref<2609152x32xf32, #tpu.memory_space<hbm>>
        tpu.enqueue_indirect_dma source(%dma_start3A_407 : memref<2609152x32xf32, #tpu.memory_space<hbm>>) target(%dma_start3A_401 : memref<112x32xf32, #tpu.memory_space<vmem>>) offsets(%dma_start3A_404 : memref<112xi32, #tpu.memory_space<vmem>>) semaphore(%arg7 : memref<!tpu.dma_semaphore, #tpu.memory_space<semaphore_mem>>)
        %mul3A_408 = arith.constant 2 : i32
        %mul3A_409 = arith.muli %mul3A_408, %add3A_287 : i32
        %add3A_410 = arith.constant 1 : i32
        %add3A_411 = arith.addi %mul3A_409, %add3A_410 : i32
        %dma_start3A_412 = arith.constant 0 : i32
        %dma_start3A_413 = arith.constant 112 : i32
        %dma_start3A_414 = arith.constant 0 : i32
        %dma_start3A_415 = tpu.memref_slice %arg6[%dma_start3A_412, %dma_start3A_413, %dma_start3A_414] : memref<2x224x32xf32, #tpu.memory_space<vmem>> -> memref<1x112x32xf32, #tpu.memory_space<vmem>>
        %dma_start3A_416 = tpu.memref_squeeze %dma_start3A_415 : memref<1x112x32xf32, #tpu.memory_space<vmem>> -> memref<112x32xf32, #tpu.memory_space<vmem>>
        %dma_start3A_417 = arith.constant 0 : i32
        %dma_start3A_418 = tpu.memref_slice %arg5[%add3A_411, %dma_start3A_417] : memref<128x128xi32, #tpu.memory_space<vmem>> -> memref<1x112xi32, #tpu.memory_space<vmem>>
        %dma_start3A_419 = tpu.memref_squeeze %dma_start3A_418 : memref<1x112xi32, #tpu.memory_space<vmem>> -> memref<112xi32, #tpu.memory_space<vmem>>
        %dma_start3A_420 = arith.constant 0 : i32
        %dma_start3A_421 = arith.constant 0 : i32
        %dma_start3A_422 = tpu.memref_slice %arg2[%dma_start3A_420, %dma_start3A_421] : memref<2609152x32xf32, #tpu.memory_space<hbm>> -> memref<2609152x32xf32, #tpu.memory_space<hbm>>
        tpu.enqueue_indirect_dma source(%dma_start3A_422 : memref<2609152x32xf32, #tpu.memory_space<hbm>>) target(%dma_start3A_416 : memref<112x32xf32, #tpu.memory_space<vmem>>) offsets(%dma_start3A_419 : memref<112xi32, #tpu.memory_space<vmem>>) semaphore(%arg7 : memref<!tpu.dma_semaphore, #tpu.memory_space<semaphore_mem>>)
      } else {
      }
      %dma_wait3A_293 = arith.constant 0 : i32
      %dma_wait3A_294 = arith.constant 1 : i32
      %dma_wait3A_295 = arith.constant 0 : i32
      %dma_wait3A_296 = arith.constant 0 : i32
      %dma_wait3A_297 = tpu.memref_slice %arg6[%dma_wait3A_294, %dma_wait3A_295, %dma_wait3A_296] : memref<2x224x32xf32, #tpu.memory_space<vmem>> -> memref<1x112x32xf32, #tpu.memory_space<vmem>>
      %dma_wait3A_298 = tpu.memref_squeeze %dma_wait3A_297 : memref<1x112x32xf32, #tpu.memory_space<vmem>> -> memref<112x32xf32, #tpu.memory_space<vmem>>
      %dma_wait3A_299 = arith.constant 0 : i32
      %dma_wait3A_300 = tpu.memref_slice %arg5[%dma_wait3A_293, %dma_wait3A_299] : memref<128x128xi32, #tpu.memory_space<vmem>> -> memref<1x112xi32, #tpu.memory_space<vmem>>
      %dma_wait3A_301 = tpu.memref_squeeze %dma_wait3A_300 : memref<1x112xi32, #tpu.memory_space<vmem>> -> memref<112xi32, #tpu.memory_space<vmem>>
      %dma_wait3A_302 = arith.constant 0 : i32
      %dma_wait3A_303 = arith.constant 0 : i32
      %dma_wait3A_304 = tpu.memref_slice %arg2[%dma_wait3A_302, %dma_wait3A_303] : memref<2609152x32xf32, #tpu.memory_space<hbm>> -> memref<2609152x32xf32, #tpu.memory_space<hbm>>
      tpu.wait_indirect_dma semaphore(%arg8 : memref<!tpu.dma_semaphore, #tpu.memory_space<semaphore_mem>>) src(%dma_wait3A_304 : memref<2609152x32xf32, #tpu.memory_space<hbm>>) dst(%dma_wait3A_298 : memref<112x32xf32, #tpu.memory_space<vmem>>)
      %dma_wait3A_305 = arith.constant 1 : i32
      %dma_wait3A_306 = arith.constant 1 : i32
      %dma_wait3A_307 = arith.constant 112 : i32
      %dma_wait3A_308 = arith.constant 0 : i32
      %dma_wait3A_309 = tpu.memref_slice %arg6[%dma_wait3A_306, %dma_wait3A_307, %dma_wait3A_308] : memref<2x224x32xf32, #tpu.memory_space<vmem>> -> memref<1x112x32xf32, #tpu.memory_space<vmem>>
      %dma_wait3A_310 = tpu.memref_squeeze %dma_wait3A_309 : memref<1x112x32xf32, #tpu.memory_space<vmem>> -> memref<112x32xf32, #tpu.memory_space<vmem>>
      %dma_wait3A_311 = arith.constant 0 : i32
      %dma_wait3A_312 = tpu.memref_slice %arg5[%dma_wait3A_305, %dma_wait3A_311] : memref<128x128xi32, #tpu.memory_space<vmem>> -> memref<1x112xi32, #tpu.memory_space<vmem>>
      %dma_wait3A_313 = tpu.memref_squeeze %dma_wait3A_312 : memref<1x112xi32, #tpu.memory_space<vmem>> -> memref<112xi32, #tpu.memory_space<vmem>>
      %dma_wait3A_314 = arith.constant 0 : i32
      %dma_wait3A_315 = arith.constant 0 : i32
      %dma_wait3A_316 = tpu.memref_slice %arg2[%dma_wait3A_314, %dma_wait3A_315] : memref<2609152x32xf32, #tpu.memory_space<hbm>> -> memref<2609152x32xf32, #tpu.memory_space<hbm>>
      tpu.wait_indirect_dma semaphore(%arg8 : memref<!tpu.dma_semaphore, #tpu.memory_space<semaphore_mem>>) src(%dma_wait3A_316 : memref<2609152x32xf32, #tpu.memory_space<hbm>>) dst(%dma_wait3A_310 : memref<112x32xf32, #tpu.memory_space<vmem>>)
      %add3A_317 = arith.addi %mul3A_2, %add3A_285 : i32
      %dma_start3A_318 = arith.constant 1 : i32
      %dma_start3A_319 = arith.constant 0 : i32
      %dma_start3A_320 = arith.constant 0 : i32
      %dma_start3A_321 = tpu.memref_slice %arg6[%dma_start3A_318, %dma_start3A_319, %dma_start3A_320] : memref<2x224x32xf32, #tpu.memory_space<vmem>> -> memref<1x56x32xf32, #tpu.memory_space<vmem>>
      %dma_start3A_322 = tpu.memref_squeeze %dma_start3A_321 : memref<1x56x32xf32, #tpu.memory_space<vmem>> -> memref<56x32xf32, #tpu.memory_space<vmem>>
      %dma_start3A_323 = arith.constant 0 : i32
      %dma_start3A_324 = arith.constant 0 : i32
      %dma_start3A_325 = tpu.memref_slice %arg4[%add3A_317, %dma_start3A_323, %dma_start3A_324] : memref<2048x56x128xf32, #tpu.memory_space<hbm>> -> memref<1x56x32xf32, #tpu.memory_space<hbm>>
      %dma_start3A_326 = tpu.memref_squeeze %dma_start3A_325 : memref<1x56x32xf32, #tpu.memory_space<hbm>> -> memref<56x32xf32, #tpu.memory_space<hbm>>
      %dma_start3A_327 = arith.constant 0 : i32
      %dma_start3A_328 = arith.constant 0 : i32
      %dma_start3A_329 = tpu.memref_slice %arg4[%add3A_317, %dma_start3A_327, %dma_start3A_328] : memref<2048x56x128xf32, #tpu.memory_space<hbm>> -> memref<1x56x32xf32, #tpu.memory_space<hbm>>
      %dma_start3A_330 = tpu.memref_squeeze %dma_start3A_329 : memref<1x56x32xf32, #tpu.memory_space<hbm>> -> memref<56x32xf32, #tpu.memory_space<hbm>>
      %dma_start3A_331 = arith.constant 0 : i32
      %dma_start3A_332 = arith.constant 0 : i32
      %dma_start3A_333 = tpu.memref_slice %arg6[%dma_start3A_318, %dma_start3A_331, %dma_start3A_332] : memref<2x224x32xf32, #tpu.memory_space<vmem>> -> memref<1x56x32xf32, #tpu.memory_space<vmem>>
      %dma_start3A_334 = tpu.memref_squeeze %dma_start3A_333 : memref<1x56x32xf32, #tpu.memory_space<vmem>> -> memref<56x32xf32, #tpu.memory_space<vmem>>
      tpu.enqueue_dma source(%dma_start3A_334 : memref<56x32xf32, #tpu.memory_space<vmem>>) target(%dma_start3A_330 : memref<56x32xf32, #tpu.memory_space<hbm>>) target_semaphore(%arg10 : memref<!tpu.dma_semaphore, #tpu.memory_space<semaphore_mem>>)
      %add3A_335 = arith.addi %mul3A_2, %add3A_285 : i32
      %dma_start3A_336 = arith.constant 1 : i32
      %dma_start3A_337 = arith.constant 56 : i32
      %dma_start3A_338 = arith.constant 0 : i32
      %dma_start3A_339 = tpu.memref_slice %arg6[%dma_start3A_336, %dma_start3A_337, %dma_start3A_338] : memref<2x224x32xf32, #tpu.memory_space<vmem>> -> memref<1x56x32xf32, #tpu.memory_space<vmem>>
      %dma_start3A_340 = tpu.memref_squeeze %dma_start3A_339 : memref<1x56x32xf32, #tpu.memory_space<vmem>> -> memref<56x32xf32, #tpu.memory_space<vmem>>
      %dma_start3A_341 = arith.constant 0 : i32
      %dma_start3A_342 = arith.constant 32 : i32
      %dma_start3A_343 = tpu.memref_slice %arg4[%add3A_335, %dma_start3A_341, %dma_start3A_342] : memref<2048x56x128xf32, #tpu.memory_space<hbm>> -> memref<1x56x32xf32, #tpu.memory_space<hbm>>
      %dma_start3A_344 = tpu.memref_squeeze %dma_start3A_343 : memref<1x56x32xf32, #tpu.memory_space<hbm>> -> memref<56x32xf32, #tpu.memory_space<hbm>>
      %dma_start3A_345 = arith.constant 0 : i32
      %dma_start3A_346 = arith.constant 32 : i32
      %dma_start3A_347 = tpu.memref_slice %arg4[%add3A_335, %dma_start3A_345, %dma_start3A_346] : memref<2048x56x128xf32, #tpu.memory_space<hbm>> -> memref<1x56x32xf32, #tpu.memory_space<hbm>>
      %dma_start3A_348 = tpu.memref_squeeze %dma_start3A_347 : memref<1x56x32xf32, #tpu.memory_space<hbm>> -> memref<56x32xf32, #tpu.memory_space<hbm>>
      %dma_start3A_349 = arith.constant 56 : i32
      %dma_start3A_350 = arith.constant 0 : i32
      %dma_start3A_351 = tpu.memref_slice %arg6[%dma_start3A_336, %dma_start3A_349, %dma_start3A_350] : memref<2x224x32xf32, #tpu.memory_space<vmem>> -> memref<1x56x32xf32, #tpu.memory_space<vmem>>
      %dma_start3A_352 = tpu.memref_squeeze %dma_start3A_351 : memref<1x56x32xf32, #tpu.memory_space<vmem>> -> memref<56x32xf32, #tpu.memory_space<vmem>>
      tpu.enqueue_dma source(%dma_start3A_352 : memref<56x32xf32, #tpu.memory_space<vmem>>) target(%dma_start3A_348 : memref<56x32xf32, #tpu.memory_space<hbm>>) target_semaphore(%arg10 : memref<!tpu.dma_semaphore, #tpu.memory_space<semaphore_mem>>)
      %add3A_353 = arith.addi %mul3A_2, %add3A_285 : i32
      %dma_start3A_354 = arith.constant 1 : i32
      %dma_start3A_355 = arith.constant 112 : i32
      %dma_start3A_356 = arith.constant 0 : i32
      %dma_start3A_357 = tpu.memref_slice %arg6[%dma_start3A_354, %dma_start3A_355, %dma_start3A_356] : memref<2x224x32xf32, #tpu.memory_space<vmem>> -> memref<1x56x32xf32, #tpu.memory_space<vmem>>
      %dma_start3A_358 = tpu.memref_squeeze %dma_start3A_357 : memref<1x56x32xf32, #tpu.memory_space<vmem>> -> memref<56x32xf32, #tpu.memory_space<vmem>>
      %dma_start3A_359 = arith.constant 0 : i32
      %dma_start3A_360 = arith.constant 64 : i32
      %dma_start3A_361 = tpu.memref_slice %arg4[%add3A_353, %dma_start3A_359, %dma_start3A_360] : memref<2048x56x128xf32, #tpu.memory_space<hbm>> -> memref<1x56x32xf32, #tpu.memory_space<hbm>>
      %dma_start3A_362 = tpu.memref_squeeze %dma_start3A_361 : memref<1x56x32xf32, #tpu.memory_space<hbm>> -> memref<56x32xf32, #tpu.memory_space<hbm>>
      %dma_start3A_363 = arith.constant 0 : i32
      %dma_start3A_364 = arith.constant 64 : i32
      %dma_start3A_365 = tpu.memref_slice %arg4[%add3A_353, %dma_start3A_363, %dma_start3A_364] : memref<2048x56x128xf32, #tpu.memory_space<hbm>> -> memref<1x56x32xf32, #tpu.memory_space<hbm>>
      %dma_start3A_366 = tpu.memref_squeeze %dma_start3A_365 : memref<1x56x32xf32, #tpu.memory_space<hbm>> -> memref<56x32xf32, #tpu.memory_space<hbm>>
      %dma_start3A_367 = arith.constant 112 : i32
      %dma_start3A_368 = arith.constant 0 : i32
      %dma_start3A_369 = tpu.memref_slice %arg6[%dma_start3A_354, %dma_start3A_367, %dma_start3A_368] : memref<2x224x32xf32, #tpu.memory_space<vmem>> -> memref<1x56x32xf32, #tpu.memory_space<vmem>>
      %dma_start3A_370 = tpu.memref_squeeze %dma_start3A_369 : memref<1x56x32xf32, #tpu.memory_space<vmem>> -> memref<56x32xf32, #tpu.memory_space<vmem>>
      tpu.enqueue_dma source(%dma_start3A_370 : memref<56x32xf32, #tpu.memory_space<vmem>>) target(%dma_start3A_366 : memref<56x32xf32, #tpu.memory_space<hbm>>) target_semaphore(%arg10 : memref<!tpu.dma_semaphore, #tpu.memory_space<semaphore_mem>>)
      %add3A_371 = arith.addi %mul3A_2, %add3A_285 : i32
      %dma_start3A_372 = arith.constant 1 : i32
      %dma_start3A_373 = arith.constant 168 : i32
      %dma_start3A_374 = arith.constant 0 : i32
      %dma_start3A_375 = tpu.memref_slice %arg6[%dma_start3A_372, %dma_start3A_373, %dma_start3A_374] : memref<2x224x32xf32, #tpu.memory_space<vmem>> -> memref<1x56x32xf32, #tpu.memory_space<vmem>>
      %dma_start3A_376 = tpu.memref_squeeze %dma_start3A_375 : memref<1x56x32xf32, #tpu.memory_space<vmem>> -> memref<56x32xf32, #tpu.memory_space<vmem>>
      %dma_start3A_377 = arith.constant 0 : i32
      %dma_start3A_378 = arith.constant 96 : i32
      %dma_start3A_379 = tpu.memref_slice %arg4[%add3A_371, %dma_start3A_377, %dma_start3A_378] : memref<2048x56x128xf32, #tpu.memory_space<hbm>> -> memref<1x56x32xf32, #tpu.memory_space<hbm>>
      %dma_start3A_380 = tpu.memref_squeeze %dma_start3A_379 : memref<1x56x32xf32, #tpu.memory_space<hbm>> -> memref<56x32xf32, #tpu.memory_space<hbm>>
      %dma_start3A_381 = arith.constant 0 : i32
      %dma_start3A_382 = arith.constant 96 : i32
      %dma_start3A_383 = tpu.memref_slice %arg4[%add3A_371, %dma_start3A_381, %dma_start3A_382] : memref<2048x56x128xf32, #tpu.memory_space<hbm>> -> memref<1x56x32xf32, #tpu.memory_space<hbm>>
      %dma_start3A_384 = tpu.memref_squeeze %dma_start3A_383 : memref<1x56x32xf32, #tpu.memory_space<hbm>> -> memref<56x32xf32, #tpu.memory_space<hbm>>
      %dma_start3A_385 = arith.constant 168 : i32
      %dma_start3A_386 = arith.constant 0 : i32
      %dma_start3A_387 = tpu.memref_slice %arg6[%dma_start3A_372, %dma_start3A_385, %dma_start3A_386] : memref<2x224x32xf32, #tpu.memory_space<vmem>> -> memref<1x56x32xf32, #tpu.memory_space<vmem>>
      %dma_start3A_388 = tpu.memref_squeeze %dma_start3A_387 : memref<1x56x32xf32, #tpu.memory_space<vmem>> -> memref<56x32xf32, #tpu.memory_space<vmem>>
      tpu.enqueue_dma source(%dma_start3A_388 : memref<56x32xf32, #tpu.memory_space<vmem>>) target(%dma_start3A_384 : memref<56x32xf32, #tpu.memory_space<hbm>>) target_semaphore(%arg10 : memref<!tpu.dma_semaphore, #tpu.memory_space<semaphore_mem>>)
    }
    %scan3A_29 = arith.constant 32 : i32
    %dma_wait3A = arith.constant 0 : i32
    %dma_wait3A_30 = arith.constant 0 : i32
    %dma_wait3A_31 = arith.constant 0 : i32
    %dma_wait3A_32 = arith.constant 0 : i32
    %dma_wait3A_33 = tpu.memref_slice %arg6[%dma_wait3A, %dma_wait3A_31, %dma_wait3A_32] : memref<2x224x32xf32, #tpu.memory_space<vmem>> -> memref<1x56x32xf32, #tpu.memory_space<vmem>>
    %dma_wait3A_34 = tpu.memref_squeeze %dma_wait3A_33 : memref<1x56x32xf32, #tpu.memory_space<vmem>> -> memref<56x32xf32, #tpu.memory_space<vmem>>
    %dma_wait3A_35 = arith.constant 0 : i32
    %dma_wait3A_36 = arith.constant 0 : i32
    %dma_wait3A_37 = tpu.memref_slice %arg4[%dma_wait3A_30, %dma_wait3A_35, %dma_wait3A_36] : memref<2048x56x128xf32, #tpu.memory_space<hbm>> -> memref<1x56x32xf32, #tpu.memory_space<hbm>>
    %dma_wait3A_38 = tpu.memref_squeeze %dma_wait3A_37 : memref<1x56x32xf32, #tpu.memory_space<hbm>> -> memref<56x32xf32, #tpu.memory_space<hbm>>
    %dma_wait3A_39 = arith.constant 0 : i32
    %dma_wait3A_40 = arith.constant 0 : i32
    %dma_wait3A_41 = tpu.memref_slice %arg4[%dma_wait3A_30, %dma_wait3A_39, %dma_wait3A_40] : memref<2048x56x128xf32, #tpu.memory_space<hbm>> -> memref<1x56x32xf32, #tpu.memory_space<hbm>>
    %dma_wait3A_42 = tpu.memref_squeeze %dma_wait3A_41 : memref<1x56x32xf32, #tpu.memory_space<hbm>> -> memref<56x32xf32, #tpu.memory_space<hbm>>
    %dma_wait3A_43 = arith.constant 0 : i32
    %dma_wait3A_44 = arith.constant 0 : i32
    %dma_wait3A_45 = tpu.memref_slice %arg6[%dma_wait3A, %dma_wait3A_43, %dma_wait3A_44] : memref<2x224x32xf32, #tpu.memory_space<vmem>> -> memref<1x56x32xf32, #tpu.memory_space<vmem>>
    %dma_wait3A_46 = tpu.memref_squeeze %dma_wait3A_45 : memref<1x56x32xf32, #tpu.memory_space<vmem>> -> memref<56x32xf32, #tpu.memory_space<vmem>>
    tpu.wait_dma2 semaphore(%arg9 : memref<!tpu.dma_semaphore, #tpu.memory_space<semaphore_mem>>) src(%dma_wait3A_46 : memref<56x32xf32, #tpu.memory_space<vmem>>) dst(%dma_wait3A_42 : memref<56x32xf32, #tpu.memory_space<hbm>>)
    %dma_wait3A_47 = arith.constant 0 : i32
    %dma_wait3A_48 = arith.constant 0 : i32
    %dma_wait3A_49 = arith.constant 56 : i32
    %dma_wait3A_50 = arith.constant 0 : i32
    %dma_wait3A_51 = tpu.memref_slice %arg6[%dma_wait3A_47, %dma_wait3A_49, %dma_wait3A_50] : memref<2x224x32xf32, #tpu.memory_space<vmem>> -> memref<1x56x32xf32, #tpu.memory_space<vmem>>
    %dma_wait3A_52 = tpu.memref_squeeze %dma_wait3A_51 : memref<1x56x32xf32, #tpu.memory_space<vmem>> -> memref<56x32xf32, #tpu.memory_space<vmem>>
    %dma_wait3A_53 = arith.constant 0 : i32
    %dma_wait3A_54 = arith.constant 32 : i32
    %dma_wait3A_55 = tpu.memref_slice %arg4[%dma_wait3A_48, %dma_wait3A_53, %dma_wait3A_54] : memref<2048x56x128xf32, #tpu.memory_space<hbm>> -> memref<1x56x32xf32, #tpu.memory_space<hbm>>
    %dma_wait3A_56 = tpu.memref_squeeze %dma_wait3A_55 : memref<1x56x32xf32, #tpu.memory_space<hbm>> -> memref<56x32xf32, #tpu.memory_space<hbm>>
    %dma_wait3A_57 = arith.constant 0 : i32
    %dma_wait3A_58 = arith.constant 32 : i32
    %dma_wait3A_59 = tpu.memref_slice %arg4[%dma_wait3A_48, %dma_wait3A_57, %dma_wait3A_58] : memref<2048x56x128xf32, #tpu.memory_space<hbm>> -> memref<1x56x32xf32, #tpu.memory_space<hbm>>
    %dma_wait3A_60 = tpu.memref_squeeze %dma_wait3A_59 : memref<1x56x32xf32, #tpu.memory_space<hbm>> -> memref<56x32xf32, #tpu.memory_space<hbm>>
    %dma_wait3A_61 = arith.constant 56 : i32
    %dma_wait3A_62 = arith.constant 0 : i32
    %dma_wait3A_63 = tpu.memref_slice %arg6[%dma_wait3A_47, %dma_wait3A_61, %dma_wait3A_62] : memref<2x224x32xf32, #tpu.memory_space<vmem>> -> memref<1x56x32xf32, #tpu.memory_space<vmem>>
    %dma_wait3A_64 = tpu.memref_squeeze %dma_wait3A_63 : memref<1x56x32xf32, #tpu.memory_space<vmem>> -> memref<56x32xf32, #tpu.memory_space<vmem>>
    tpu.wait_dma2 semaphore(%arg9 : memref<!tpu.dma_semaphore, #tpu.memory_space<semaphore_mem>>) src(%dma_wait3A_64 : memref<56x32xf32, #tpu.memory_space<vmem>>) dst(%dma_wait3A_60 : memref<56x32xf32, #tpu.memory_space<hbm>>)
    %dma_wait3A_65 = arith.constant 0 : i32
    %dma_wait3A_66 = arith.constant 0 : i32
    %dma_wait3A_67 = arith.constant 112 : i32
    %dma_wait3A_68 = arith.constant 0 : i32
    %dma_wait3A_69 = tpu.memref_slice %arg6[%dma_wait3A_65, %dma_wait3A_67, %dma_wait3A_68] : memref<2x224x32xf32, #tpu.memory_space<vmem>> -> memref<1x56x32xf32, #tpu.memory_space<vmem>>
    %dma_wait3A_70 = tpu.memref_squeeze %dma_wait3A_69 : memref<1x56x32xf32, #tpu.memory_space<vmem>> -> memref<56x32xf32, #tpu.memory_space<vmem>>
    %dma_wait3A_71 = arith.constant 0 : i32
    %dma_wait3A_72 = arith.constant 64 : i32
    %dma_wait3A_73 = tpu.memref_slice %arg4[%dma_wait3A_66, %dma_wait3A_71, %dma_wait3A_72] : memref<2048x56x128xf32, #tpu.memory_space<hbm>> -> memref<1x56x32xf32, #tpu.memory_space<hbm>>
    %dma_wait3A_74 = tpu.memref_squeeze %dma_wait3A_73 : memref<1x56x32xf32, #tpu.memory_space<hbm>> -> memref<56x32xf32, #tpu.memory_space<hbm>>
    %dma_wait3A_75 = arith.constant 0 : i32
    %dma_wait3A_76 = arith.constant 64 : i32
    %dma_wait3A_77 = tpu.memref_slice %arg4[%dma_wait3A_66, %dma_wait3A_75, %dma_wait3A_76] : memref<2048x56x128xf32, #tpu.memory_space<hbm>> -> memref<1x56x32xf32, #tpu.memory_space<hbm>>
    %dma_wait3A_78 = tpu.memref_squeeze %dma_wait3A_77 : memref<1x56x32xf32, #tpu.memory_space<hbm>> -> memref<56x32xf32, #tpu.memory_space<hbm>>
    %dma_wait3A_79 = arith.constant 112 : i32
    %dma_wait3A_80 = arith.constant 0 : i32
    %dma_wait3A_81 = tpu.memref_slice %arg6[%dma_wait3A_65, %dma_wait3A_79, %dma_wait3A_80] : memref<2x224x32xf32, #tpu.memory_space<vmem>> -> memref<1x56x32xf32, #tpu.memory_space<vmem>>
    %dma_wait3A_82 = tpu.memref_squeeze %dma_wait3A_81 : memref<1x56x32xf32, #tpu.memory_space<vmem>> -> memref<56x32xf32, #tpu.memory_space<vmem>>
    tpu.wait_dma2 semaphore(%arg9 : memref<!tpu.dma_semaphore, #tpu.memory_space<semaphore_mem>>) src(%dma_wait3A_82 : memref<56x32xf32, #tpu.memory_space<vmem>>) dst(%dma_wait3A_78 : memref<56x32xf32, #tpu.memory_space<hbm>>)
    %dma_wait3A_83 = arith.constant 0 : i32
    %dma_wait3A_84 = arith.constant 0 : i32
    %dma_wait3A_85 = arith.constant 168 : i32
    %dma_wait3A_86 = arith.constant 0 : i32
    %dma_wait3A_87 = tpu.memref_slice %arg6[%dma_wait3A_83, %dma_wait3A_85, %dma_wait3A_86] : memref<2x224x32xf32, #tpu.memory_space<vmem>> -> memref<1x56x32xf32, #tpu.memory_space<vmem>>
    %dma_wait3A_88 = tpu.memref_squeeze %dma_wait3A_87 : memref<1x56x32xf32, #tpu.memory_space<vmem>> -> memref<56x32xf32, #tpu.memory_space<vmem>>
    %dma_wait3A_89 = arith.constant 0 : i32
    %dma_wait3A_90 = arith.constant 96 : i32
    %dma_wait3A_91 = tpu.memref_slice %arg4[%dma_wait3A_84, %dma_wait3A_89, %dma_wait3A_90] : memref<2048x56x128xf32, #tpu.memory_space<hbm>> -> memref<1x56x32xf32, #tpu.memory_space<hbm>>
    %dma_wait3A_92 = tpu.memref_squeeze %dma_wait3A_91 : memref<1x56x32xf32, #tpu.memory_space<hbm>> -> memref<56x32xf32, #tpu.memory_space<hbm>>
    %dma_wait3A_93 = arith.constant 0 : i32
    %dma_wait3A_94 = arith.constant 96 : i32
    %dma_wait3A_95 = tpu.memref_slice %arg4[%dma_wait3A_84, %dma_wait3A_93, %dma_wait3A_94] : memref<2048x56x128xf32, #tpu.memory_space<hbm>> -> memref<1x56x32xf32, #tpu.memory_space<hbm>>
    %dma_wait3A_96 = tpu.memref_squeeze %dma_wait3A_95 : memref<1x56x32xf32, #tpu.memory_space<hbm>> -> memref<56x32xf32, #tpu.memory_space<hbm>>
    %dma_wait3A_97 = arith.constant 168 : i32
    %dma_wait3A_98 = arith.constant 0 : i32
    %dma_wait3A_99 = tpu.memref_slice %arg6[%dma_wait3A_83, %dma_wait3A_97, %dma_wait3A_98] : memref<2x224x32xf32, #tpu.memory_space<vmem>> -> memref<1x56x32xf32, #tpu.memory_space<vmem>>
    %dma_wait3A_100 = tpu.memref_squeeze %dma_wait3A_99 : memref<1x56x32xf32, #tpu.memory_space<vmem>> -> memref<56x32xf32, #tpu.memory_space<vmem>>
    tpu.wait_dma2 semaphore(%arg9 : memref<!tpu.dma_semaphore, #tpu.memory_space<semaphore_mem>>) src(%dma_wait3A_100 : memref<56x32xf32, #tpu.memory_space<vmem>>) dst(%dma_wait3A_96 : memref<56x32xf32, #tpu.memory_space<hbm>>)
    %dma_wait3A_101 = arith.constant 1 : i32
    %dma_wait3A_102 = arith.constant 0 : i32
    %dma_wait3A_103 = arith.constant 0 : i32
    %dma_wait3A_104 = arith.constant 0 : i32
    %dma_wait3A_105 = tpu.memref_slice %arg6[%dma_wait3A_101, %dma_wait3A_103, %dma_wait3A_104] : memref<2x224x32xf32, #tpu.memory_space<vmem>> -> memref<1x56x32xf32, #tpu.memory_space<vmem>>
    %dma_wait3A_106 = tpu.memref_squeeze %dma_wait3A_105 : memref<1x56x32xf32, #tpu.memory_space<vmem>> -> memref<56x32xf32, #tpu.memory_space<vmem>>
    %dma_wait3A_107 = arith.constant 0 : i32
    %dma_wait3A_108 = arith.constant 0 : i32
    %dma_wait3A_109 = tpu.memref_slice %arg4[%dma_wait3A_102, %dma_wait3A_107, %dma_wait3A_108] : memref<2048x56x128xf32, #tpu.memory_space<hbm>> -> memref<1x56x32xf32, #tpu.memory_space<hbm>>
    %dma_wait3A_110 = tpu.memref_squeeze %dma_wait3A_109 : memref<1x56x32xf32, #tpu.memory_space<hbm>> -> memref<56x32xf32, #tpu.memory_space<hbm>>
    %dma_wait3A_111 = arith.constant 0 : i32
    %dma_wait3A_112 = arith.constant 0 : i32
    %dma_wait3A_113 = tpu.memref_slice %arg4[%dma_wait3A_102, %dma_wait3A_111, %dma_wait3A_112] : memref<2048x56x128xf32, #tpu.memory_space<hbm>> -> memref<1x56x32xf32, #tpu.memory_space<hbm>>
    %dma_wait3A_114 = tpu.memref_squeeze %dma_wait3A_113 : memref<1x56x32xf32, #tpu.memory_space<hbm>> -> memref<56x32xf32, #tpu.memory_space<hbm>>
    %dma_wait3A_115 = arith.constant 0 : i32
    %dma_wait3A_116 = arith.constant 0 : i32
    %dma_wait3A_117 = tpu.memref_slice %arg6[%dma_wait3A_101, %dma_wait3A_115, %dma_wait3A_116] : memref<2x224x32xf32, #tpu.memory_space<vmem>> -> memref<1x56x32xf32, #tpu.memory_space<vmem>>
    %dma_wait3A_118 = tpu.memref_squeeze %dma_wait3A_117 : memref<1x56x32xf32, #tpu.memory_space<vmem>> -> memref<56x32xf32, #tpu.memory_space<vmem>>
    tpu.wait_dma2 semaphore(%arg10 : memref<!tpu.dma_semaphore, #tpu.memory_space<semaphore_mem>>) src(%dma_wait3A_118 : memref<56x32xf32, #tpu.memory_space<vmem>>) dst(%dma_wait3A_114 : memref<56x32xf32, #tpu.memory_space<hbm>>)
    %dma_wait3A_119 = arith.constant 1 : i32
    %dma_wait3A_120 = arith.constant 0 : i32
    %dma_wait3A_121 = arith.constant 56 : i32
    %dma_wait3A_122 = arith.constant 0 : i32
    %dma_wait3A_123 = tpu.memref_slice %arg6[%dma_wait3A_119, %dma_wait3A_121, %dma_wait3A_122] : memref<2x224x32xf32, #tpu.memory_space<vmem>> -> memref<1x56x32xf32, #tpu.memory_space<vmem>>
    %dma_wait3A_124 = tpu.memref_squeeze %dma_wait3A_123 : memref<1x56x32xf32, #tpu.memory_space<vmem>> -> memref<56x32xf32, #tpu.memory_space<vmem>>
    %dma_wait3A_125 = arith.constant 0 : i32
    %dma_wait3A_126 = arith.constant 32 : i32
    %dma_wait3A_127 = tpu.memref_slice %arg4[%dma_wait3A_120, %dma_wait3A_125, %dma_wait3A_126] : memref<2048x56x128xf32, #tpu.memory_space<hbm>> -> memref<1x56x32xf32, #tpu.memory_space<hbm>>
    %dma_wait3A_128 = tpu.memref_squeeze %dma_wait3A_127 : memref<1x56x32xf32, #tpu.memory_space<hbm>> -> memref<56x32xf32, #tpu.memory_space<hbm>>
    %dma_wait3A_129 = arith.constant 0 : i32
    %dma_wait3A_130 = arith.constant 32 : i32
    %dma_wait3A_131 = tpu.memref_slice %arg4[%dma_wait3A_120, %dma_wait3A_129, %dma_wait3A_130] : memref<2048x56x128xf32, #tpu.memory_space<hbm>> -> memref<1x56x32xf32, #tpu.memory_space<hbm>>
    %dma_wait3A_132 = tpu.memref_squeeze %dma_wait3A_131 : memref<1x56x32xf32, #tpu.memory_space<hbm>> -> memref<56x32xf32, #tpu.memory_space<hbm>>
    %dma_wait3A_133 = arith.constant 56 : i32
    %dma_wait3A_134 = arith.constant 0 : i32
    %dma_wait3A_135 = tpu.memref_slice %arg6[%dma_wait3A_119, %dma_wait3A_133, %dma_wait3A_134] : memref<2x224x32xf32, #tpu.memory_space<vmem>> -> memref<1x56x32xf32, #tpu.memory_space<vmem>>
    %dma_wait3A_136 = tpu.memref_squeeze %dma_wait3A_135 : memref<1x56x32xf32, #tpu.memory_space<vmem>> -> memref<56x32xf32, #tpu.memory_space<vmem>>
    tpu.wait_dma2 semaphore(%arg10 : memref<!tpu.dma_semaphore, #tpu.memory_space<semaphore_mem>>) src(%dma_wait3A_136 : memref<56x32xf32, #tpu.memory_space<vmem>>) dst(%dma_wait3A_132 : memref<56x32xf32, #tpu.memory_space<hbm>>)
    %dma_wait3A_137 = arith.constant 1 : i32
    %dma_wait3A_138 = arith.constant 0 : i32
    %dma_wait3A_139 = arith.constant 112 : i32
    %dma_wait3A_140 = arith.constant 0 : i32
    %dma_wait3A_141 = tpu.memref_slice %arg6[%dma_wait3A_137, %dma_wait3A_139, %dma_wait3A_140] : memref<2x224x32xf32, #tpu.memory_space<vmem>> -> memref<1x56x32xf32, #tpu.memory_space<vmem>>
    %dma_wait3A_142 = tpu.memref_squeeze %dma_wait3A_141 : memref<1x56x32xf32, #tpu.memory_space<vmem>> -> memref<56x32xf32, #tpu.memory_space<vmem>>
    %dma_wait3A_143 = arith.constant 0 : i32
    %dma_wait3A_144 = arith.constant 64 : i32
    %dma_wait3A_145 = tpu.memref_slice %arg4[%dma_wait3A_138, %dma_wait3A_143, %dma_wait3A_144] : memref<2048x56x128xf32, #tpu.memory_space<hbm>> -> memref<1x56x32xf32, #tpu.memory_space<hbm>>
    %dma_wait3A_146 = tpu.memref_squeeze %dma_wait3A_145 : memref<1x56x32xf32, #tpu.memory_space<hbm>> -> memref<56x32xf32, #tpu.memory_space<hbm>>
    %dma_wait3A_147 = arith.constant 0 : i32
    %dma_wait3A_148 = arith.constant 64 : i32
    %dma_wait3A_149 = tpu.memref_slice %arg4[%dma_wait3A_138, %dma_wait3A_147, %dma_wait3A_148] : memref<2048x56x128xf32, #tpu.memory_space<hbm>> -> memref<1x56x32xf32, #tpu.memory_space<hbm>>
    %dma_wait3A_150 = tpu.memref_squeeze %dma_wait3A_149 : memref<1x56x32xf32, #tpu.memory_space<hbm>> -> memref<56x32xf32, #tpu.memory_space<hbm>>
    %dma_wait3A_151 = arith.constant 112 : i32
    %dma_wait3A_152 = arith.constant 0 : i32
    %dma_wait3A_153 = tpu.memref_slice %arg6[%dma_wait3A_137, %dma_wait3A_151, %dma_wait3A_152] : memref<2x224x32xf32, #tpu.memory_space<vmem>> -> memref<1x56x32xf32, #tpu.memory_space<vmem>>
    %dma_wait3A_154 = tpu.memref_squeeze %dma_wait3A_153 : memref<1x56x32xf32, #tpu.memory_space<vmem>> -> memref<56x32xf32, #tpu.memory_space<vmem>>
    tpu.wait_dma2 semaphore(%arg10 : memref<!tpu.dma_semaphore, #tpu.memory_space<semaphore_mem>>) src(%dma_wait3A_154 : memref<56x32xf32, #tpu.memory_space<vmem>>) dst(%dma_wait3A_150 : memref<56x32xf32, #tpu.memory_space<hbm>>)
    %dma_wait3A_155 = arith.constant 1 : i32
    %dma_wait3A_156 = arith.constant 0 : i32
    %dma_wait3A_157 = arith.constant 168 : i32
    %dma_wait3A_158 = arith.constant 0 : i32
    %dma_wait3A_159 = tpu.memref_slice %arg6[%dma_wait3A_155, %dma_wait3A_157, %dma_wait3A_158] : memref<2x224x32xf32, #tpu.memory_space<vmem>> -> memref<1x56x32xf32, #tpu.memory_space<vmem>>
    %dma_wait3A_160 = tpu.memref_squeeze %dma_wait3A_159 : memref<1x56x32xf32, #tpu.memory_space<vmem>> -> memref<56x32xf32, #tpu.memory_space<vmem>>
    %dma_wait3A_161 = arith.constant 0 : i32
    %dma_wait3A_162 = arith.constant 96 : i32
    %dma_wait3A_163 = tpu.memref_slice %arg4[%dma_wait3A_156, %dma_wait3A_161, %dma_wait3A_162] : memref<2048x56x128xf32, #tpu.memory_space<hbm>> -> memref<1x56x32xf32, #tpu.memory_space<hbm>>
    %dma_wait3A_164 = tpu.memref_squeeze %dma_wait3A_163 : memref<1x56x32xf32, #tpu.memory_space<hbm>> -> memref<56x32xf32, #tpu.memory_space<hbm>>
    %dma_wait3A_165 = arith.constant 0 : i32
    %dma_wait3A_166 = arith.constant 96 : i32
    %dma_wait3A_167 = tpu.memref_slice %arg4[%dma_wait3A_156, %dma_wait3A_165, %dma_wait3A_166] : memref<2048x56x128xf32, #tpu.memory_space<hbm>> -> memref<1x56x32xf32, #tpu.memory_space<hbm>>
    %dma_wait3A_168 = tpu.memref_squeeze %dma_wait3A_167 : memref<1x56x32xf32, #tpu.memory_space<hbm>> -> memref<56x32xf32, #tpu.memory_space<hbm>>
    %dma_wait3A_169 = arith.constant 168 : i32
    %dma_wait3A_170 = arith.constant 0 : i32
    %dma_wait3A_171 = tpu.memref_slice %arg6[%dma_wait3A_155, %dma_wait3A_169, %dma_wait3A_170] : memref<2x224x32xf32, #tpu.memory_space<vmem>> -> memref<1x56x32xf32, #tpu.memory_space<vmem>>
    %dma_wait3A_172 = tpu.memref_squeeze %dma_wait3A_171 : memref<1x56x32xf32, #tpu.memory_space<vmem>> -> memref<56x32xf32, #tpu.memory_space<vmem>>
    tpu.wait_dma2 semaphore(%arg10 : memref<!tpu.dma_semaphore, #tpu.memory_space<semaphore_mem>>) src(%dma_wait3A_172 : memref<56x32xf32, #tpu.memory_space<vmem>>) dst(%dma_wait3A_168 : memref<56x32xf32, #tpu.memory_space<hbm>>)
    return
  }
}

module attributes {stable_mosaic.version = 14 : i64} {
  func.func @_tr_body(%arg0: i32, %arg1: i32, %arg2: memref<1x32x3584xf32, #tpu.memory_space<vmem>>, %arg3: memref<1x32x3584xf32, #tpu.memory_space<vmem>>, %arg4: memref<1x32x3584xf32, #tpu.memory_space<vmem>>, %arg5: memref<1x32x3584xf32, #tpu.memory_space<vmem>>, %arg6: memref<3584x128xf32, #tpu.memory_space<vmem>>) attributes {dimension_semantics = [#tpu.dimension_semantics<arbitrary>, #tpu.dimension_semantics<arbitrary>], iteration_bounds = array<i64: 26, 7>, scalar_prefetch = 0 : i64, scratch_operands = 0 : i64, tpu.core_type = #tpu.core_type<tc>, window_params = [{transform_indices = @transform_0, window_bounds = array<i64: 1, 32, 3584>}, {transform_indices = @transform_1, window_bounds = array<i64: 1, 32, 3584>}, {transform_indices = @transform_2, window_bounds = array<i64: 1, 32, 3584>}, {transform_indices = @transform_3, window_bounds = array<i64: 1, 32, 3584>}, {transform_indices = @transform_4, window_bounds = array<i64: 3584, 128>}]} {
    %get3A = arith.constant 0 : index
    %get3A_0 = arith.constant 0 : index
    %get3A_1 = arith.constant 0 : index
    %get3A_2 = vector.load %arg2[%get3A, %get3A_0, %get3A_1] : memref<1x32x3584xf32, #tpu.memory_space<vmem>>, vector<1x32x3584xf32>
    %get3A_3 = vector.shape_cast %get3A_2 : vector<1x32x3584xf32> to vector<32x3584xf32>
    %get3A_4 = arith.constant 0 : index
    %get3A_5 = arith.constant 0 : index
    %get3A_6 = arith.constant 0 : index
    %get3A_7 = vector.load %arg3[%get3A_4, %get3A_5, %get3A_6] : memref<1x32x3584xf32, #tpu.memory_space<vmem>>, vector<1x32x3584xf32>
    %get3A_8 = vector.shape_cast %get3A_7 : vector<1x32x3584xf32> to vector<32x3584xf32>
    %get3A_9 = arith.constant 0 : index
    %get3A_10 = arith.constant 0 : index
    %get3A_11 = arith.constant 0 : index
    %get3A_12 = vector.load %arg4[%get3A_9, %get3A_10, %get3A_11] : memref<1x32x3584xf32, #tpu.memory_space<vmem>>, vector<1x32x3584xf32>
    %get3A_13 = vector.shape_cast %get3A_12 : vector<1x32x3584xf32> to vector<32x3584xf32>
    %get3A_14 = arith.constant 0 : index
    %get3A_15 = arith.constant 0 : index
    %get3A_16 = arith.constant 0 : index
    %get3A_17 = vector.load %arg5[%get3A_14, %get3A_15, %get3A_16] : memref<1x32x3584xf32, #tpu.memory_space<vmem>>, vector<1x32x3584xf32>
    %get3A_18 = vector.shape_cast %get3A_17 : vector<1x32x3584xf32> to vector<32x3584xf32>
    %concatenate3A = tpu.concatenate %get3A_3, %get3A_8, %get3A_13, %get3A_18 in 0 : vector<32x3584xf32>, vector<32x3584xf32>, vector<32x3584xf32>, vector<32x3584xf32> -> vector<128x3584xf32>
    %transpose3A = tpu.transpose %concatenate3A, [1, 0] : vector<128x3584xf32> -> vector<3584x128xf32>
    %swap3A = arith.constant 0 : index
    %swap3A_19 = arith.constant 0 : index
    %swap3A_20 = vector.load %arg6[%swap3A, %swap3A_19] : memref<3584x128xf32, #tpu.memory_space<vmem>>, vector<3584x128xf32>
    tpu.vector_store %arg6[%swap3A, %swap3A_19], %transpose3A {strides = array<i32>} : memref<3584x128xf32, #tpu.memory_space<vmem>>, vector<3584x128xf32>,
    return
  }
  func.func @transform_0(%arg0: i32, %arg1: i32) -> (i32, i32, i32) {
    %add3A = arith.constant 0 : i32
    %add3A_0 = arith.addi %add3A, %arg1 : i32
    %c0_i32 = arith.constant 0 : i32
    %c0_i32_1 = arith.constant 0 : i32
    return %arg0, %c0_i32, %add3A_0 : i32, i32, i32
  }
  func.func @transform_1(%arg0: i32, %arg1: i32) -> (i32, i32, i32) {
    %add3A = arith.constant 7 : i32
    %add3A_0 = arith.addi %add3A, %arg1 : i32
    %c0_i32 = arith.constant 0 : i32
    %c0_i32_1 = arith.constant 0 : i32
    return %arg0, %c0_i32, %add3A_0 : i32, i32, i32
  }
  func.func @transform_2(%arg0: i32, %arg1: i32) -> (i32, i32, i32) {
    %add3A = arith.constant 14 : i32
    %add3A_0 = arith.addi %add3A, %arg1 : i32
    %c0_i32 = arith.constant 0 : i32
    %c0_i32_1 = arith.constant 0 : i32
    return %arg0, %c0_i32, %add3A_0 : i32, i32, i32
  }
  func.func @transform_3(%arg0: i32, %arg1: i32) -> (i32, i32, i32) {
    %add3A = arith.constant 21 : i32
    %add3A_0 = arith.addi %add3A, %arg1 : i32
    %c0_i32 = arith.constant 0 : i32
    %c0_i32_1 = arith.constant 0 : i32
    return %arg0, %c0_i32, %add3A_0 : i32, i32, i32
  }
  func.func @transform_4(%arg0: i32, %arg1: i32) -> (i32, i32) {
    %mul3A = arith.constant 7 : i32
    %mul3A_0 = arith.muli %mul3A, %arg0 : i32
    %add3A = arith.addi %mul3A_0, %arg1 : i32
    %c0_i32 = arith.constant 0 : i32
    %c0_i32_1 = arith.constant 0 : i32
    return %add3A, %c0_i32 : i32, i32
  }
}

module attributes {stable_mosaic.version = 14 : i64} {
  func.func @_mlp_body(%arg0: i32, %arg1: memref<128x56x128xf32, #tpu.memory_space<vmem>>, %arg2: memref<7x128x512xf32, #tpu.memory_space<vmem>>, %arg3: memref<1x512xf32, #tpu.memory_space<vmem>>, %arg4: memref<512x128xf32, #tpu.memory_space<vmem>>, %arg5: memref<1x128xf32, #tpu.memory_space<vmem>>, %arg6: memref<1024x128xf32, #tpu.memory_space<vmem>>) attributes {dimension_semantics = [#tpu.dimension_semantics<arbitrary>], iteration_bounds = array<i64: 16>, scalar_prefetch = 0 : i64, scratch_operands = 0 : i64, tpu.core_type = #tpu.core_type<tc>, window_params = [{transform_indices = @transform_0, window_bounds = array<i64: 128, 56, 128>}, {pipeline_mode = #tpu.pipeline_mode<synchronous>, transform_indices = @transform_1, window_bounds = array<i64: 7, 128, 512>}, {pipeline_mode = #tpu.pipeline_mode<synchronous>, transform_indices = @transform_2, window_bounds = array<i64: 1, 512>}, {pipeline_mode = #tpu.pipeline_mode<synchronous>, transform_indices = @transform_3, window_bounds = array<i64: 512, 128>}, {pipeline_mode = #tpu.pipeline_mode<synchronous>, transform_indices = @transform_4, window_bounds = array<i64: 1, 128>}, {transform_indices = @transform_5, window_bounds = array<i64: 1024, 128>}]} {
    %get3A = arith.constant 0 : index
    %get3A_0 = arith.constant 0 : index
    %get3A_1 = arith.constant 0 : index
    %get3A_2 = vector.load %arg1[%get3A, %get3A_0, %get3A_1] : memref<128x56x128xf32, #tpu.memory_space<vmem>>, vector<128x8x128xf32>
    %reshape3A = vector.shape_cast %get3A_2 : vector<128x8x128xf32> to vector<1024x128xf32>
    %get3A_3 = arith.constant 0 : index
    %get3A_4 = arith.constant 0 : index
    %get3A_5 = arith.constant 0 : index
    %get3A_6 = vector.load %arg2[%get3A_3, %get3A_4, %get3A_5] : memref<7x128x512xf32, #tpu.memory_space<vmem>>, vector<1x128x512xf32>
    %get3A_7 = vector.shape_cast %get3A_6 : vector<1x128x512xf32> to vector<128x512xf32>
    %dot_general3A = arith.constant dense<0.000000e+00> : vector<1024x512xf32>
    %dot_general3A_8 = tpu.matmul %reshape3A, %get3A_7, %dot_general3A {dimension_numbers = #tpu.dot_dimension_numbers<[1], [0], [0], [1], [0, 0, 1, 1], [], []>, transpose_lhs_hint = false} : vector<1024x128xf32>, vector<128x512xf32>, vector<1024x512xf32> -> vector<1024x512xf32>
    %get3A_9 = arith.constant 0 : index
    %get3A_10 = arith.constant 8 : index
    %get3A_11 = arith.constant 0 : index
    %get3A_12 = vector.load %arg1[%get3A_9, %get3A_10, %get3A_11] : memref<128x56x128xf32, #tpu.memory_space<vmem>>, vector<128x8x128xf32>
    %reshape3A_13 = vector.shape_cast %get3A_12 : vector<128x8x128xf32> to vector<1024x128xf32>
    %get3A_14 = arith.constant 1 : index
    %get3A_15 = arith.constant 0 : index
    %get3A_16 = arith.constant 0 : index
    %get3A_17 = vector.load %arg2[%get3A_14, %get3A_15, %get3A_16] : memref<7x128x512xf32, #tpu.memory_space<vmem>>, vector<1x128x512xf32>
    %get3A_18 = vector.shape_cast %get3A_17 : vector<1x128x512xf32> to vector<128x512xf32>
    %dot_general3A_19 = arith.constant dense<0.000000e+00> : vector<1024x512xf32>
    %dot_general3A_20 = tpu.matmul %reshape3A_13, %get3A_18, %dot_general3A_19 {dimension_numbers = #tpu.dot_dimension_numbers<[1], [0], [0], [1], [0, 0, 1, 1], [], []>, transpose_lhs_hint = false} : vector<1024x128xf32>, vector<128x512xf32>, vector<1024x512xf32> -> vector<1024x512xf32>
    %add3A = arith.addf %dot_general3A_8, %dot_general3A_20 : vector<1024x512xf32>
    %get3A_21 = arith.constant 0 : index
    %get3A_22 = arith.constant 16 : index
    %get3A_23 = arith.constant 0 : index
    %get3A_24 = vector.load %arg1[%get3A_21, %get3A_22, %get3A_23] : memref<128x56x128xf32, #tpu.memory_space<vmem>>, vector<128x8x128xf32>
    %reshape3A_25 = vector.shape_cast %get3A_24 : vector<128x8x128xf32> to vector<1024x128xf32>
    %get3A_26 = arith.constant 2 : index
    %get3A_27 = arith.constant 0 : index
    %get3A_28 = arith.constant 0 : index
    %get3A_29 = vector.load %arg2[%get3A_26, %get3A_27, %get3A_28] : memref<7x128x512xf32, #tpu.memory_space<vmem>>, vector<1x128x512xf32>
    %get3A_30 = vector.shape_cast %get3A_29 : vector<1x128x512xf32> to vector<128x512xf32>
    %dot_general3A_31 = arith.constant dense<0.000000e+00> : vector<1024x512xf32>
    %dot_general3A_32 = tpu.matmul %reshape3A_25, %get3A_30, %dot_general3A_31 {dimension_numbers = #tpu.dot_dimension_numbers<[1], [0], [0], [1], [0, 0, 1, 1], [], []>, transpose_lhs_hint = false} : vector<1024x128xf32>, vector<128x512xf32>, vector<1024x512xf32> -> vector<1024x512xf32>
    %add3A_33 = arith.addf %add3A, %dot_general3A_32 : vector<1024x512xf32>
    %get3A_34 = arith.constant 0 : index
    %get3A_35 = arith.constant 24 : index
    %get3A_36 = arith.constant 0 : index
    %get3A_37 = vector.load %arg1[%get3A_34, %get3A_35, %get3A_36] : memref<128x56x128xf32, #tpu.memory_space<vmem>>, vector<128x8x128xf32>
    %reshape3A_38 = vector.shape_cast %get3A_37 : vector<128x8x128xf32> to vector<1024x128xf32>
    %get3A_39 = arith.constant 3 : index
    %get3A_40 = arith.constant 0 : index
    %get3A_41 = arith.constant 0 : index
    %get3A_42 = vector.load %arg2[%get3A_39, %get3A_40, %get3A_41] : memref<7x128x512xf32, #tpu.memory_space<vmem>>, vector<1x128x512xf32>
    %get3A_43 = vector.shape_cast %get3A_42 : vector<1x128x512xf32> to vector<128x512xf32>
    %dot_general3A_44 = arith.constant dense<0.000000e+00> : vector<1024x512xf32>
    %dot_general3A_45 = tpu.matmul %reshape3A_38, %get3A_43, %dot_general3A_44 {dimension_numbers = #tpu.dot_dimension_numbers<[1], [0], [0], [1], [0, 0, 1, 1], [], []>, transpose_lhs_hint = false} : vector<1024x128xf32>, vector<128x512xf32>, vector<1024x512xf32> -> vector<1024x512xf32>
    %add3A_46 = arith.addf %add3A_33, %dot_general3A_45 : vector<1024x512xf32>
    %get3A_47 = arith.constant 0 : index
    %get3A_48 = arith.constant 32 : index
    %get3A_49 = arith.constant 0 : index
    %get3A_50 = vector.load %arg1[%get3A_47, %get3A_48, %get3A_49] : memref<128x56x128xf32, #tpu.memory_space<vmem>>, vector<128x8x128xf32>
    %reshape3A_51 = vector.shape_cast %get3A_50 : vector<128x8x128xf32> to vector<1024x128xf32>
    %get3A_52 = arith.constant 4 : index
    %get3A_53 = arith.constant 0 : index
    %get3A_54 = arith.constant 0 : index
    %get3A_55 = vector.load %arg2[%get3A_52, %get3A_53, %get3A_54] : memref<7x128x512xf32, #tpu.memory_space<vmem>>, vector<1x128x512xf32>
    %get3A_56 = vector.shape_cast %get3A_55 : vector<1x128x512xf32> to vector<128x512xf32>
    %dot_general3A_57 = arith.constant dense<0.000000e+00> : vector<1024x512xf32>
    %dot_general3A_58 = tpu.matmul %reshape3A_51, %get3A_56, %dot_general3A_57 {dimension_numbers = #tpu.dot_dimension_numbers<[1], [0], [0], [1], [0, 0, 1, 1], [], []>, transpose_lhs_hint = false} : vector<1024x128xf32>, vector<128x512xf32>, vector<1024x512xf32> -> vector<1024x512xf32>
    %add3A_59 = arith.addf %add3A_46, %dot_general3A_58 : vector<1024x512xf32>
    %get3A_60 = arith.constant 0 : index
    %get3A_61 = arith.constant 40 : index
    %get3A_62 = arith.constant 0 : index
    %get3A_63 = vector.load %arg1[%get3A_60, %get3A_61, %get3A_62] : memref<128x56x128xf32, #tpu.memory_space<vmem>>, vector<128x8x128xf32>
    %reshape3A_64 = vector.shape_cast %get3A_63 : vector<128x8x128xf32> to vector<1024x128xf32>
    %get3A_65 = arith.constant 5 : index
    %get3A_66 = arith.constant 0 : index
    %get3A_67 = arith.constant 0 : index
    %get3A_68 = vector.load %arg2[%get3A_65, %get3A_66, %get3A_67] : memref<7x128x512xf32, #tpu.memory_space<vmem>>, vector<1x128x512xf32>
    %get3A_69 = vector.shape_cast %get3A_68 : vector<1x128x512xf32> to vector<128x512xf32>
    %dot_general3A_70 = arith.constant dense<0.000000e+00> : vector<1024x512xf32>
    %dot_general3A_71 = tpu.matmul %reshape3A_64, %get3A_69, %dot_general3A_70 {dimension_numbers = #tpu.dot_dimension_numbers<[1], [0], [0], [1], [0, 0, 1, 1], [], []>, transpose_lhs_hint = false} : vector<1024x128xf32>, vector<128x512xf32>, vector<1024x512xf32> -> vector<1024x512xf32>
    %add3A_72 = arith.addf %add3A_59, %dot_general3A_71 : vector<1024x512xf32>
    %get3A_73 = arith.constant 0 : index
    %get3A_74 = arith.constant 48 : index
    %get3A_75 = arith.constant 0 : index
    %get3A_76 = vector.load %arg1[%get3A_73, %get3A_74, %get3A_75] : memref<128x56x128xf32, #tpu.memory_space<vmem>>, vector<128x8x128xf32>
    %reshape3A_77 = vector.shape_cast %get3A_76 : vector<128x8x128xf32> to vector<1024x128xf32>
    %get3A_78 = arith.constant 6 : index
    %get3A_79 = arith.constant 0 : index
    %get3A_80 = arith.constant 0 : index
    %get3A_81 = vector.load %arg2[%get3A_78, %get3A_79, %get3A_80] : memref<7x128x512xf32, #tpu.memory_space<vmem>>, vector<1x128x512xf32>
    %get3A_82 = vector.shape_cast %get3A_81 : vector<1x128x512xf32> to vector<128x512xf32>
    %dot_general3A_83 = arith.constant dense<0.000000e+00> : vector<1024x512xf32>
    %dot_general3A_84 = tpu.matmul %reshape3A_77, %get3A_82, %dot_general3A_83 {dimension_numbers = #tpu.dot_dimension_numbers<[1], [0], [0], [1], [0, 0, 1, 1], [], []>, transpose_lhs_hint = false} : vector<1024x128xf32>, vector<128x512xf32>, vector<1024x512xf32> -> vector<1024x512xf32>
    %add3A_85 = arith.addf %add3A_72, %dot_general3A_84 : vector<1024x512xf32>
    %get3A_86 = arith.constant 0 : index
    %get3A_87 = arith.constant 0 : index
    %get3A_88 = vector.load %arg3[%get3A_86, %get3A_87] : memref<1x512xf32, #tpu.memory_space<vmem>>, vector<1x512xf32>
    %add3A_89 = vector.broadcast %get3A_88 : vector<1x512xf32> to vector<1024x512xf32>
    %add3A_90 = arith.addf %add3A_85, %add3A_89 : vector<1024x512xf32>
    %max3A = arith.constant 0.000000e+00 : f32
    %max3A_91 = vector.broadcast %max3A : f32 to vector<1024x512xf32>
    %max3A_92 = arith.maximumf %add3A_90, %max3A_91 : vector<1024x512xf32>
    %get3A_93 = arith.constant 0 : index
    %get3A_94 = arith.constant 0 : index
    %get3A_95 = vector.load %arg4[%get3A_93, %get3A_94] : memref<512x128xf32, #tpu.memory_space<vmem>>, vector<512x128xf32>
    %dot_general3A_96 = arith.constant dense<0.000000e+00> : vector<1024x128xf32>
    %dot_general3A_97 = tpu.matmul %max3A_92, %get3A_95, %dot_general3A_96 {dimension_numbers = #tpu.dot_dimension_numbers<[1], [0], [0], [1], [0, 0, 1, 1], [], []>, transpose_lhs_hint = false} : vector<1024x512xf32>, vector<512x128xf32>, vector<1024x128xf32> -> vector<1024x128xf32>
    %get3A_98 = arith.constant 0 : index
    %get3A_99 = arith.constant 0 : index
    %get3A_100 = vector.load %arg5[%get3A_98, %get3A_99] : memref<1x128xf32, #tpu.memory_space<vmem>>, vector<1x128xf32>
    %add3A_101 = vector.broadcast %get3A_100 : vector<1x128xf32> to vector<1024x128xf32>
    %add3A_102 = arith.addf %dot_general3A_97, %add3A_101 : vector<1024x128xf32>
    %swap3A = arith.constant 0 : index
    %swap3A_103 = arith.constant 0 : index
    %swap3A_104 = vector.load %arg6[%swap3A, %swap3A_103] : memref<1024x128xf32, #tpu.memory_space<vmem>>, vector<1024x128xf32>
    tpu.vector_store %arg6[%swap3A, %swap3A_103], %add3A_102 {strides = array<i32>} : memref<1024x128xf32, #tpu.memory_space<vmem>>, vector<1024x128xf32>,
    return
  }
  func.func @transform_0(%arg0: i32) -> (i32, i32, i32) {
    %c0_i32 = arith.constant 0 : i32
    %c0_i32_0 = arith.constant 0 : i32
    %c0_i32_1 = arith.constant 0 : i32
    return %arg0, %c0_i32, %c0_i32_0 : i32, i32, i32
  }
  func.func @transform_1(%arg0: i32) -> (i32, i32, i32) {
    %c0_i32 = arith.constant 0 : i32
    %c0_i32_0 = arith.constant 0 : i32
    %c0_i32_1 = arith.constant 0 : i32
    %c0_i32_2 = arith.constant 0 : i32
    return %c0_i32, %c0_i32_0, %c0_i32_1 : i32, i32, i32
  }
  func.func @transform_2(%arg0: i32) -> (i32, i32) {
    %c0_i32 = arith.constant 0 : i32
    %c0_i32_0 = arith.constant 0 : i32
    %c0_i32_1 = arith.constant 0 : i32
    return %c0_i32, %c0_i32_0 : i32, i32
  }
  func.func @transform_3(%arg0: i32) -> (i32, i32) {
    %c0_i32 = arith.constant 0 : i32
    %c0_i32_0 = arith.constant 0 : i32
    %c0_i32_1 = arith.constant 0 : i32
    return %c0_i32, %c0_i32_0 : i32, i32
  }
  func.func @transform_4(%arg0: i32) -> (i32, i32) {
    %c0_i32 = arith.constant 0 : i32
    %c0_i32_0 = arith.constant 0 : i32
    %c0_i32_1 = arith.constant 0 : i32
    return %c0_i32, %c0_i32_0 : i32, i32
  }
  func.func @transform_5(%arg0: i32) -> (i32, i32) {
    %c0_i32 = arith.constant 0 : i32
    %c0_i32_0 = arith.constant 0 : i32
    return %arg0, %c0_i32 : i32, i32
  }
}

</mosaic_0001>

<sc_bundles>
// kernel: kernel.5.cloned.1.call-start
scs
__scs_entry_jumppad:
0x0: {  	(pc) =	sbr.rel $0x88, $3  }
0x1: {  	(tag) =	ssettag $0x0;
	lr =	simm.s32 $0x1  }
0x2: {  	[smem:$0x3F9B] =	sst lr;
	_ =	strace $0xD0000000  }
0x3: {  	_ = 	snop  }
0x4: {  	_ = 	snop  }
0x5: {  	_ = 	snop  }
0x6: {  	_ = 	snop  }
0x7: {  	_ = 	snop  }
__scs_overlays_trampoline_lowered:
0x8: {  	[smem:$0x3FAA] =	sst s0  }
0x9: {  	[smem:$0x3FAB] =	sst s1  }
0xa: {  	[smem:$0x3FAC] =	sst s2  }
0xb: {  	[smem:$0x3FAD] =	sst s3  }
0xc: {  	[smem:$0x3FAE] =	sst s4  }
0xd: {  	[smem:$0x3FAF] =	sst s5  }
0xe: {  	[smem:$0x3FB0] =	sst s6  }
0xf: {  	[smem:$0x3FB1] =	sst s7  }
0x10: {  	[smem:$0x3FB2] =	sst s8  }
0x11: {  	[smem:$0x3FB3] =	sst s9;
	s0 =	simm.s32 @!p0 $0x0  }
0x12: {  	s1 =	sld [smem:$0x3F99];
	s0 =	simm.s32 @p0 $0x1  }
0x13: {  	[smem:$0x3FB4] =	sst s0;
	s0 =	simm.s32 @!p1 $0x0  }
0x14: {  	s2 =	sld [smem:$0x3F98];
	s0 =	simm.s32 @p1 $0x1  }
0x15: {  	[smem:$0x3FB5] =	sst s0;
	s0 =	simm.s32 @!p2 $0x0  }
0x16: {  	s3 =	sld [smem:$0x3FDB];
	s0 =	simm.s32 @p2 $0x1  }
0x17: {  	s4 =	simm.s32 $0x1BF5;
	[smem:$0x3FB7] =	sst s0  }
0x18: {  	s0 =	sld [smem:$0x3F9A];
	_ =	swait.ge [sflag:s4], $0x0  }
0x19: {  	s7 =	sld [smem:$0x3F9B]  }
0x1a: {  	s8 =	sadd.s32 $0xFFFFE003, lr  }
0x1b: {  	s9 =	sadd.s32 $0xFFFFFEF7, lr;
	s5 =	simm.s32 $0xFFFFFFFF;
	p2 =	slt.u32 s8, $0xFFFFF086  }
0x1c: {  	p1 =	slt.u32 s9, $0xF7A;
	s5 =	simm.s32 @!p2 $0x0  }
0x1d: {  	s5 =	simm.s32 @p1 $0x1;
	p0 =	seq.s32 s7, s2  }
0x1e: {  	s7 =	smul.u32 @!p0 $0xF7A, s2;
	p2 =	seq.s32 @!p0 s5, $0x0  }
0x1f: {  	s9 =	smul.u32 $0xF7A, s1;
	s8 =	simm.s32 @!p0 $0x1BF5;
	p2 =	por !p2, p0  }
0x20: {  	[sflag:s8] =	ssyncset.s32 @!p0 $0xFFFFF086;
	s6 =	sadd.s32 @!p0 s3, s7;
	s7 =	simm.s32 @!p0 $0x108  }
0x21: {  	s3 =	sadd.s32 s3, s9;
	s6 =	sadd.s32 @!p0 $0x88, s6;
	s7 =	simm.s32 @p2 $0x1082  }
0x22: {  	[simem:s7], [sflag:s8] =	dma.local @!p0 [hbm:s6], $0xF7A  }
0x23: {  	s9 =	sor.u32 $0xD0000000, s2;
	s6 =	simm.s32 $0x108;
	_ =	swait.ge @!p0 [sflag:s8], $0x0  }
0x24: {  	s3 =	sadd.s32 $0x88, s3;
	s6 =	simm.s32 @!p1 $0x1082;
	[sflag:s4] =	ssyncset.s32 $0xFFFFF086  }
0x25: {  	[simem:s6], [sflag:s4] =	dma.local [hbm:s3], $0xF7A  }
0x26: {  	[smem:$0x3F9B] =	sst s1;
	(tag) =	ssettag s2;
	_ =	strace s9  }
0x27: {  	s1 =	sld [smem:$0x3FAB]  }
0x28: {  	s2 =	sld [smem:$0x3FAC]  }
0x29: {  	s4 =	sld [smem:$0x3FAE]  }
0x2a: {  	p0 =	seq.s32 s5, $0x0;
	s5 =	sld [smem:$0x3FAF]  }
0x2b: {  	s6 =	sld [smem:$0x3FB0]  }
0x2c: {  	s7 =	sld [smem:$0x3FB1]  }
0x2d: {  	s3 =	simm.s32 $0x108;
	s8 =	sld [smem:$0x3FB2]  }
0x2e: {  	s3 =	simm.s32 @!p0 $0x1082;
	s9 =	sld [smem:$0x3FB3]  }
0x2f: {  	lr =	sadd.s32 s0, s3;
	s0 =	sld [smem:$0x3FAA]  }
0x30: {  	s3 =	sld [smem:$0x3FAD]  }
0x31: {  	[smem:$0x3FB6] =	sst s10  }
0x32: {  	s10 =	sld [smem:$0x3FB4];
	_ =	sdelay $0x3  }
0x33: {  	p0 =	seq.s32 s10, $0x1;
	s10 =	sld [smem:$0x3FB6];
	_ =	sdelay $0x3  }
0x34: {  	[smem:$0x3FB6] =	sst s10  }
0x35: {  	s10 =	sld [smem:$0x3FB5];
	_ =	sdelay $0x3  }
0x36: {  	p1 =	seq.s32 s10, $0x1;
	s10 =	sld [smem:$0x3FB6];
	_ =	sdelay $0x3  }
0x37: {  	[smem:$0x3FB6] =	sst s10  }
0x38: {  	s10 =	sld [smem:$0x3FB7]  }
0x39: {  	_ = 	snop;
	(pc) =	sbr.ind lr, $3  }
0x3a: {  	_ = 	snop  }
0x3b: {  	_ = 	snop  }
0x3c: {  	p2 =	seq.s32 s10, $0x1;
	s10 =	sld [smem:$0x3FB6]  }
0x3d: {  	_ =	shalt  }
0x3e: {  	_ =	shalt  }
0x3f: {  	_ =	shalt  }
0x40: {  	_ =	shalt  }
0x41: {  	_ =	shalt  }
0x42: {  	_ =	shalt  }
0x43: {  	_ =	shalt  }
0x44: {  	_ =	shalt  }
0x45: {  	_ =	shalt  }
0x46: {  	_ =	shalt  }
0x47: {  	_ =	shalt  }
0x48: {  	_ =	shalt  }
0x49: {  	_ =	shalt  }
0x4a: {  	_ =	shalt  }
0x4b: {  	_ =	shalt  }
0x4c: {  	_ =	shalt  }
0x4d: {  	_ =	shalt  }
0x4e: {  	_ =	shalt  }
0x4f: {  	_ =	shalt  }
0x50: {  	_ =	shalt  }
0x51: {  	_ =	shalt  }
0x52: {  	_ =	shalt  }
0x53: {  	_ =	shalt  }
0x54: {  	_ =	shalt  }
0x55: {  	_ =	shalt  }
0x56: {  	_ =	shalt  }
0x57: {  	_ =	shalt  }
0x58: {  	_ =	shalt  }
0x59: {  	_ =	shalt  }
0x5a: {  	_ =	shalt  }
0x5b: {  	_ =	shalt  }
0x5c: {  	_ =	shalt  }
0x5d: {  	_ =	shalt  }
0x5e: {  	_ =	shalt  }
0x5f: {  	_ =	shalt  }
0x60: {  	_ =	shalt  }
0x61: {  	_ =	shalt  }
0x62: {  	_ =	shalt  }
0x63: {  	_ =	shalt  }
0x64: {  	_ =	shalt  }
0x65: {  	_ =	shalt  }
0x66: {  	_ =	shalt  }
0x67: {  	_ =	shalt  }
0x68: {  	_ =	shalt  }
0x69: {  	_ =	shalt  }
0x6a: {  	_ =	shalt  }
0x6b: {  	_ =	shalt  }
0x6c: {  	_ =	shalt  }
0x6d: {  	_ =	shalt  }
0x6e: {  	_ =	shalt  }
0x6f: {  	_ =	shalt  }
0x70: {  	_ =	shalt  }
0x71: {  	_ =	shalt  }
0x72: {  	_ =	shalt  }
0x73: {  	_ =	shalt  }
0x74: {  	_ =	shalt  }
0x75: {  	_ =	shalt  }
0x76: {  	_ =	shalt  }
0x77: {  	_ =	shalt  }
0x78: {  	_ =	shalt  }
0x79: {  	_ =	shalt  }
0x7a: {  	_ =	shalt  }
0x7b: {  	_ =	shalt  }
0x7c: {  	_ =	shalt  }
0x7d: {  	_ =	shalt  }
0x7e: {  	_ =	shalt  }
0x7f: {  	_ =	shalt  }
0x80: {  	_ =	shalt  }
0x81: {  	_ =	shalt  }
0x82: {  	_ =	shalt  }
0x83: {  	_ =	shalt  }
0x84: {  	_ =	shalt  }
0x85: {  	_ =	shalt  }
0x86: {  	_ =	shalt  }
0x87: {  	_ =	shalt  }
.Lfunc_end0:
.L_simem_size_0:
called_computation_lowered:
.L_overlay_start_0:
0x88: {  	s2 =	sld [smem:$0x3FD9]  }
0x89: {  	s3 =	sld [smem:$0x3FFE];
	_ =	sdelay $0x1  }
0x8a: {  	s1 =	srdreg.scid  }
0x8b: {  	s0 =	sand.u32 $0x1, s1  }
0x8c: {  	s17 =	sshll.u32 s0, $0xA;
	s2 =	sadd.s32 s3, s2  }
0x8d: {  	s2 =	sadd.s32 s2, s17  }
0x8e: {  	[smem:$0x3FC2] =	sst s2  }
0x8f: {  	_ = 	snop  }
0x90: {  	s2 =	sld [smem:$0x3FD0];
	(tm) =	ssettm $0x1  }
0x91: {  	s18 =	sld [smem:$0x3FFB];
	_ =	sdelay $0x3  }
0x92: {  	_ =	strace s18  }
0x93: {  	s3 =	sld [smem:$0x3FFC];
	_ =	sdelay $0x3  }
0x94: {  	_ =	strace s3  }
0x95: {  	s3 =	sld [smem:$0x3FFD];
	_ =	sdelay $0x3  }
0x96: {  	_ =	strace s3  }
0x97: {  	_ =	strace $0x8FFFFFFF  }
0x98: {  	s19 =	sld [smem:$0x3FDB];
	_ =	sdelay $0x1  }
0x99: {  	s4 =	simm.s32 $_scs_section_size  }
0x9a: {  	s5 =	simm.s32 $_size__tile_overlayer_lowered;
	s6 =	simm.s32 $_tile_overlayer_lowered  }
0x9b: {  	s22 =	simm.s32 $0x1BFF;
	s21 =	sshll.u32 s6, $0x1;
	s3 =	sadd.s32 s4, s19  }
0x9c: {  	s7 =	simm.s32 $0x0;
	s20 =	sshll.u32 s5, $0x1;
	s5 =	sadd.s32 s21, s3  }
0x9d: {  	[timem:s7], [sflag:s22] =	dma.local [hbm:s5], s20  }
0x9e: {  	_ =	swait.ge [sflag:s22], s20  }
0x9f: {  	s4 =	ssub.s32 $0x0, s20;
	[sflag:s22] =	ssyncset.done $0x0  }
0xa0: {  	[sflag:s22] =	ssyncadd.s32 s4;
	_ =	sdelay $0x1  }
0xa1: {  	s23 =	simm.s32 $0x1B8B  }
0xa2: {  	_ =	swait.ge [sflag:s23], $0x1  }
0xa3: {  	[sflag:s23] =	ssyncset.done $0x0  }
0xa4: {  	s25 =	simm.s32 $0x1B8E;
	s24 =	sld [smem:$0x3FFE];
	[sflag:s23] =	ssyncadd.s32 $0xFFFFFFFF  }
0xa5: {  	s26 =	simm.s32 $execute0_lowered;
	[smem:$0x3FD2] =	sst s25  }
0xa6: {  	s5 =	sshll.u32 s26, $0x1;
	_ =	strace $0x80000046;
	[dreg:$0x1] =	wrdreg $0xFFFFFFFF  }
0xa7: {  	s28 =	simm.s32 $_size_execute0_lowered;
	s3 =	sadd.s32 s3, s5;
	[dreg:$0x0] =	wrdreg $0x0  }
0xa8: {  	s5 =	sshll.u32 s28, $0x1;
	[dreg:$0x2] =	wrdreg s3  }
0xa9: {  	[dreg:$0x3] =	wrdreg s5  }
0xaa: {  	[dreg:$0x4] =	wrdreg $0xC0  }
0xab: {  	_ =	task [dreg:s7], $0x5FFFF  }
0xac: {  	[dreg:$0x1] =	wrdreg $0xFFFFFFFF  }
0xad: {  	[dreg:$0x0] =	wrdreg $0x60  }
0xae: {  	[dreg:$0x2] =	wrdreg s24  }
0xaf: {  	[dreg:$0x3] =	wrdreg s2  }
0xb0: {  	[dreg:$0x4] =	wrdreg $0x9  }
0xb1: {  	_ =	task.clear_ibuf [dreg:s7], $0x5FFFF;
	_ =	strace $0x90000046  }
0xb2: {  	s29 =	simm.s32 $0x9;
	_ =	strace $0x80000048  }
0xb3: {  	_ =	swait.ge [sflag:s29], $0x1  }
0xb4: {  	[sflag:s29] =	ssyncadd.s32 $0xFFFFFFFF  }
0xb5: {  	_ =	strace $0x90000048  }
0xb6: {  	_ =	sfence  }
0xb7: {  	s30 =	sld [smem:$0x0];
	_ =	sdelay $0x2  }
0xb8: {  	s31 =	sshll.u32 s1, $0xD;
	s1 =	sshrl.u32 s1, $0x2  }
0xb9: {  	s3 =	sand.u32 $0x4000, s31;
	s1 =	sadd.s32 s1, s30  }
0xba: {  	s0 =	sor.u32 s3, s0;
	s1 =	sshll.u32 s1, $0x11  }
0xbb: {  	s0 =	sor.u32 s1, s0  }
0xbc: {  	s0 =	sadd.s32 $0x8F2B, s0  }
0xbd: {  	[sflag:s0] =	ssyncadd.remote.s32 $0x1  }
0xbe: {  	_ =	sfence.sel $0xFFFF  }
0xbf: {  	[dreg:$0x0] =	wrdreg $0xFFFFFFFF;
	(pc) =	sbr.abs _section_cstart, $3  }
0xc0: {  	[dreg:$0x1] =	wrdreg $0xFFFFFFFF  }
0xc1: {  	_ =	task.clear_ibuf [dreg:s7], $0x2FFFF;
	_ =	strace $0x9FFFFFFF  }
0xc2: {  	(tm) =	ssettm $0x7FFFFFFF  }
0xc3: {  	_ =	shalt  }
tec
execute0_lowered:
.L_overlay_start_1:
0x0: {  	(tag) =	ssettag $0x1  }
0x1: {  	s4 =	rddreg [dreg:$0x0]  }
0x2: {  	s5 =	rddreg [dreg:$0x1];
	s2 =	simm.s32 $0x0;
	s1 =	stileid.u32  }
0x3: {  	s7 =	srdreg.scid;
	s11 =	simm.s32 $0x5C00;
	s12 =	simm.s32 $0x6A00  }
0x4: {  	s13 =	simm.s32 $0x1;
	s14 =	simm.s32 $0x20;
	s15 =	simm.s32 $0x4700  }
0x5: {  	s16 =	simm.s32 $0x5500;
	s17 =	simm.s32 $0x2;
	s18 =	simm.s32 $0x6300  }
0x6: {  	s19 =	simm.s32 $0x7100;
	s20 =	simm.s32 $0x3;
	s21 =	simm.s32 $0x4  }
0x7: {  	s22 =	simm.s32 $0x0;
	[smem:$0x7FF] =	sst s2;
	s6 =	smul.u32 $0x1C000, s1  }
0x8: {  	s3 =	sadd.s32 $0xE00, s4;
	s7 =	sand.u32 $0x1, s7;
	s10 =	sshll.u32 s1, $0xC  }
0x9: {  	_ =	strace $0x80000047;
	s30 =	ssub.s32 $0x2, s7;
	s8 =	smul.u32 $0xE000, s7  }
0xa: {  	s7 =	sshll.u32 s7, $0xB;
	s4 =	sadd.s32 s6, s4;
	s9 =	sshrl.u32 s30, $0x1  }
0xb: {  	s7 =	sor.u32 s7, s10;
	s10 =	simm.s32 $0x4E00;
	s6 =	ssub.s32 s30, s9  }
0xc: {  	s8 =	sadd.s32 s8, s4;
	s4 =	sadd.s32 s5, s7;
	s7 =	simm.s32 $0x70  }
0xd: {  	s9 =	simm.s32 $0x80;
	s5 =	smax.u32 s6, $0x1;
	s31 =	sadd.s32 $0x9F4E00, s8  }
0xe: {  	s6 =	simm.s32 $0x5;
	s8 =	simm.s32 $0x4000;
	[dreg:$0x3] =	wrdreg s31  }
.LBB2_1:
0xf: {  	[tilespmem:s2], [sflag:$0x5] =	stream.linear.gather [hbm4b:s4+s2], $0x4000, $0x38;
	[tilespmem:$0x7800] =	vst v63  }
0x10: {  	_ =	swait.ge [sflag:s6], $0x4000  }
0x11: {  	p0 =	por $0x1, $0x1;
	[sflag:s6] =	ssyncset.done $0x0  }
0x12: {  	p0 =	por p0, p0;
	[sflag:s6] =	ssyncadd.s32 $0xFFFFC000  }
0x13: {  	[tilespmem:s8], [sflag:$0x1] =	stream.indirect.gather [hbm4b:s3+s7], $0x20, s2, s7, $0xb8;
	[tilespmem:$0x7800] =	vst v63  }
0x14: {  	s23 =	simm.s32 @!p0 $0x4  }
0x15: {  	[tilespmem:s10], [sflag:$0x1] =	stream.indirect.gather [hbm4b:s3+s7], $0x20, s9, s7, $0xb8;
	[tilespmem:$0x7800] =	vst v63  }
0x16: {  	_ =	swait.ge @!p0 [sflag:s23], $0x700  }
0x17: {  	[sflag:s23] =	ssyncset.done @!p0 $0x0  }
0x18: {  	[sflag:s23] =	ssyncadd.s32 @!p0 $0xFFFFF900  }
0x19: {  	_ =	swait.ge @!p0 [sflag:s23], $0x700  }
0x1a: {  	[sflag:s23] =	ssyncset.done @!p0 $0x0  }
0x1b: {  	[sflag:s23] =	ssyncadd.s32 @!p0 $0xFFFFF900  }
0x1c: {  	_ =	swait.ge @!p0 [sflag:s23], $0x700  }
0x1d: {  	[sflag:s23] =	ssyncset.done @!p0 $0x0  }
0x1e: {  	[sflag:s23] =	ssyncadd.s32 @!p0 $0xFFFFF900  }
0x1f: {  	_ =	swait.ge @!p0 [sflag:s23], $0x700  }
0x20: {  	[sflag:s23] =	ssyncset.done @!p0 $0x0  }
0x21: {  	s0 =	simm.s32 $0x100;
	[sflag:s23] =	ssyncadd.s32 @!p0 $0xFFFFF900  }
0x22: {  	[tilespmem:s11], [sflag:$0x2] =	stream.indirect.gather [hbm4b:s3+s7], $0x20, s0, s7, $0xb8;
	[tilespmem:$0x7800] =	vst v63  }
0x23: {  	s24 =	simm.s32 $0x180  }
0x24: {  	[tilespmem:s12], [sflag:$0x2] =	stream.indirect.gather [hbm4b:s3+s7], $0x20, s24, s7, $0xb8;
	[tilespmem:$0x7800] =	vst v63  }
0x25: {  	_ =	swait.ge [sflag:s13], $0xE00  }
0x26: {  	[sflag:s13] =	ssyncset.done $0x0  }
0x27: {  	[sflag:s13] =	ssyncadd.s32 $0xFFFFF200  }
0x28: {  	_ =	swait.ge [sflag:s13], $0xE00  }
0x29: {  	s25 =	rddreg [dreg:$0x3];
	[sflag:s13] =	ssyncset.done $0x0  }
0x2a: {  	[sflag:s13] =	ssyncadd.s32 $0xFFFFF200;
	s23 =	sadd.s32 $0x0, s25  }
0x2b: {  	[hbm4b:s23+s14] =	stream.strided.scatter [tilespmem:s8], [sflag:$0x3], $0x700, s9, s14, $0x38;
	[tilespmem:$0x7800] =	vst v63  }
0x2c: {  	s24 =	sadd.s32 $0x4, s23  }
0x2d: {  	[hbm4b:s24+s14] =	stream.strided.scatter [tilespmem:s15], [sflag:$0x3], $0x700, s9, s14, $0x38;
	[tilespmem:$0x7800] =	vst v63  }
0x2e: {  	p0 =	por $0x0, $0x0;
	s26 =	sadd.s32 $0x8, s23  }
0x2f: {  	[hbm4b:s26+s14] =	stream.strided.scatter [tilespmem:s10], [sflag:$0x3], $0x700, s9, s14, $0x38;
	[tilespmem:$0x7800] =	vst v63  }
0x30: {  	s28 =	sadd.s32 $0xC, s23;
	s24 =	simm.s32 @!p0 $0x3  }
0x31: {  	[hbm4b:s28+s14] =	stream.strided.scatter [tilespmem:s16], [sflag:$0x3], $0x700, s9, s14, $0x38;
	[tilespmem:$0x7800] =	vst v63  }
0x32: {  	_ =	swait.ge @!p0 [sflag:s24], $0x700  }
0x33: {  	[sflag:s24] =	ssyncset.done @!p0 $0x0  }
0x34: {  	[sflag:s24] =	ssyncadd.s32 @!p0 $0xFFFFF900  }
0x35: {  	_ =	swait.ge @!p0 [sflag:s24], $0x700  }
0x36: {  	[sflag:s24] =	ssyncset.done @!p0 $0x0  }
0x37: {  	[sflag:s24] =	ssyncadd.s32 @!p0 $0xFFFFF900  }
0x38: {  	_ =	swait.ge @!p0 [sflag:s24], $0x700  }
0x39: {  	[sflag:s24] =	ssyncset.done @!p0 $0x0  }
0x3a: {  	[sflag:s24] =	ssyncadd.s32 @!p0 $0xFFFFF900  }
0x3b: {  	_ =	swait.ge @!p0 [sflag:s24], $0x700  }
0x3c: {  	s25 =	simm.s32 @!p0 $0x4000;
	[sflag:s24] =	ssyncset.done @!p0 $0x0  }
0x3d: {  	s26 =	simm.s32 @!p0 $0x200;
	s28 =	simm.s32 @!p0 $0x70;
	[sflag:s24] =	ssyncadd.s32 @!p0 $0xFFFFF900  }
0x3e: {  	[tilespmem:s25], [sflag:$0x1] =	stream.indirect.gather @!p0 [hbm4b:s3+s28], $0x20, s26, s28, $0xb8;
	[tilespmem:$0x7800] =	vst v63  }
0x3f: {  	s24 =	simm.s32 $0x280;
	s25 =	simm.s32 @!p0 $0x4E00  }
0x40: {  	[tilespmem:s25], [sflag:$0x1] =	stream.indirect.gather @!p0 [hbm4b:s3+s28], $0x20, s24, s28, $0xb8;
	[tilespmem:$0x7800] =	vst v63  }
0x41: {  	_ =	swait.ge [sflag:s17], $0xE00  }
0x42: {  	[sflag:s17] =	ssyncset.done $0x0  }
0x43: {  	[sflag:s17] =	ssyncadd.s32 $0xFFFFF200  }
0x44: {  	_ =	swait.ge [sflag:s17], $0xE00  }
0x45: {  	p6 =	por $0x0, $0x0;
	[sflag:s17] =	ssyncset.done $0x0  }
0x46: {  	s29 =	sadd.s32 $0x380, s23;
	s30 =	sadd.s32 $0x384, s23;
	[sflag:s17] =	ssyncadd.s32 $0xFFFFF200  }
0x47: {  	[hbm4b:s29+s14] =	stream.strided.scatter [tilespmem:s11], [sflag:$0x4], $0x700, s9, s14, $0x38;
	[tilespmem:$0x7800] =	vst v63  }
0x48: {  	s31 =	sadd.s32 $0x388, s23;
	s26 =	sadd.s32 $0x38C, s23;
	s23 =	simm.s32 $0x480  }
0x49: {  	[hbm4b:s30+s14] =	stream.strided.scatter [tilespmem:s18], [sflag:$0x4], $0x700, s9, s14, $0x38;
	[tilespmem:$0x7800] =	vst v63  }
0x4a: {  	s24 =	simm.s32 $0x700;
	s25 =	simm.s32 $0xE00;
	p0 =	por p6, p6  }
0x4b: {  	[hbm4b:s31+s14] =	stream.strided.scatter [tilespmem:s12], [sflag:$0x4], $0x700, s9, s14, $0x38;
	[tilespmem:$0x7800] =	vst v63  }
.LBB2_2:
0x4c: {  	s28 =	simm.s32 @!p0 $0x4  }
0x4d: {  	[hbm4b:s26+s14] =	stream.strided.scatter [tilespmem:s19], [sflag:$0x4], $0x700, s9, s14, $0x38;
	[tilespmem:$0x7800] =	vst v63  }
0x4e: {  	_ =	swait.ge @!p0 [sflag:s28], $0x700  }
0x4f: {  	[sflag:s28] =	ssyncset.done @!p0 $0x0  }
0x50: {  	[sflag:s28] =	ssyncadd.s32 @!p0 $0xFFFFF900  }
0x51: {  	_ =	swait.ge @!p0 [sflag:s28], $0x700  }
0x52: {  	[sflag:s28] =	ssyncset.done @!p0 $0x0  }
0x53: {  	[sflag:s28] =	ssyncadd.s32 @!p0 $0xFFFFF900  }
0x54: {  	_ =	swait.ge @!p0 [sflag:s28], $0x700  }
0x55: {  	[sflag:s28] =	ssyncset.done @!p0 $0x0  }
0x56: {  	[sflag:s28] =	ssyncadd.s32 @!p0 $0xFFFFF900  }
0x57: {  	_ =	swait.ge @!p0 [sflag:s28], $0x700  }
0x58: {  	[sflag:s28] =	ssyncset.done @!p0 $0x0  }
0x59: {  	s0 =	sadd.s32 $0xFFFFFE80, s23;
	[sflag:s28] =	ssyncadd.s32 @!p0 $0xFFFFF900  }
0x5a: {  	[tilespmem:s11], [sflag:$0x2] =	stream.indirect.gather [hbm4b:s3+s7], $0x20, s0, s7, $0xb8;
	[tilespmem:$0x7800] =	vst v63  }
0x5b: {  	s28 =	sadd.s32 $0xFFFFFF00, s23  }
0x5c: {  	[tilespmem:s12], [sflag:$0x2] =	stream.indirect.gather [hbm4b:s3+s7], $0x20, s28, s7, $0xb8;
	[tilespmem:$0x7800] =	vst v63  }
0x5d: {  	_ =	swait.ge [sflag:s13], $0xE00  }
0x5e: {  	[sflag:s13] =	ssyncset.done $0x0  }
0x5f: {  	[sflag:s13] =	ssyncadd.s32 $0xFFFFF200  }
0x60: {  	_ =	swait.ge [sflag:s13], $0xE00  }
0x61: {  	s30 =	rddreg [dreg:$0x3];
	[sflag:s13] =	ssyncset.done $0x0  }
0x62: {  	[sflag:s13] =	ssyncadd.s32 $0xFFFFF200;
	s28 =	sadd.s32 s24, s30  }
0x63: {  	[hbm4b:s28+s14] =	stream.strided.scatter [tilespmem:s8], [sflag:$0x3], $0x700, s9, s14, $0x38;
	[tilespmem:$0x7800] =	vst v63  }
0x64: {  	p2 =	seq.s32 s25, $0x0;
	s29 =	smov.u32 s25;
	s30 =	sadd.s32 $0x4, s28  }
0x65: {  	[hbm4b:s30+s14] =	stream.strided.scatter [tilespmem:s15], [sflag:$0x3], $0x700, s9, s14, $0x38;
	[tilespmem:$0x7800] =	vst v63  }
0x66: {  	p0 =	por p2, p2;
	p2 =	seq.s32 s24, $0xD900;
	s31 =	sadd.s32 $0x8, s28  }
0x67: {  	[hbm4b:s31+s14] =	stream.strided.scatter [tilespmem:s10], [sflag:$0x3], $0x700, s9, s14, $0x38;
	[tilespmem:$0x7800] =	vst v63  }
0x68: {  	s24 =	smov.u32 s29;
	s29 =	simm.s32 @!p2 $0x3;
	s0 =	sadd.s32 $0xC, s28  }
0x69: {  	[hbm4b:s0+s14] =	stream.strided.scatter [tilespmem:s16], [sflag:$0x3], $0x700, s9, s14, $0x38;
	[tilespmem:$0x7800] =	vst v63  }
0x6a: {  	_ =	swait.ge @!p2 [sflag:s29], $0x700  }
0x6b: {  	[sflag:s29] =	ssyncset.done @!p2 $0x0  }
0x6c: {  	[sflag:s29] =	ssyncadd.s32 @!p2 $0xFFFFF900  }
0x6d: {  	_ =	swait.ge @!p2 [sflag:s29], $0x700  }
0x6e: {  	[sflag:s29] =	ssyncset.done @!p2 $0x0  }
0x6f: {  	[sflag:s29] =	ssyncadd.s32 @!p2 $0xFFFFF900  }
0x70: {  	_ =	swait.ge @!p2 [sflag:s29], $0x700  }
0x71: {  	[sflag:s29] =	ssyncset.done @!p2 $0x0  }
0x72: {  	[sflag:s29] =	ssyncadd.s32 @!p2 $0xFFFFF900  }
0x73: {  	_ =	swait.ge @!p2 [sflag:s29], $0x700  }
0x74: {  	s30 =	simm.s32 @!p2 $0x4000;
	[sflag:s29] =	ssyncset.done @!p2 $0x0  }
0x75: {  	s31 =	sadd.s32 @!p2 $0xFFFFFF80, s23;
	s0 =	simm.s32 @!p2 $0x70;
	[sflag:s29] =	ssyncadd.s32 @!p2 $0xFFFFF900  }
0x76: {  	[tilespmem:s30], [sflag:$0x1] =	stream.indirect.gather @!p2 [hbm4b:s3+s0], $0x20, s31, s0, $0xb8;
	[tilespmem:$0x7800] =	vst v63  }
0x77: {  	s29 =	simm.s32 @!p2 $0x4E00  }
0x78: {  	[tilespmem:s29], [sflag:$0x1] =	stream.indirect.gather @!p2 [hbm4b:s3+s0], $0x20, s23, s0, $0xb8;
	[tilespmem:$0x7800] =	vst v63  }
0x79: {  	_ =	swait.ge [sflag:s17], $0xE00  }
0x7a: {  	[sflag:s17] =	ssyncset.done $0x0  }
0x7b: {  	[sflag:s17] =	ssyncadd.s32 $0xFFFFF200  }
0x7c: {  	_ =	swait.ge [sflag:s17], $0xE00  }
0x7d: {  	s25 =	sadd.s32 $0x700, s25;
	[sflag:s17] =	ssyncset.done $0x0  }
0x7e: {  	p1 =	sne.s32 s25, $0xE000;
	s29 =	sadd.s32 $0x380, s28;
	[sflag:s17] =	ssyncadd.s32 $0xFFFFF200  }
0x7f: {  	[hbm4b:s29+s14] =	stream.strided.scatter [tilespmem:s11], [sflag:$0x4], $0x700, s9, s14, $0x38;
	[tilespmem:$0x7800] =	vst v63  }
.Ltmp0:
0x80: {  	_ = 	snop;
	(pc) =	sbr.rel @p1 .LBB2_2-.Ltmp0, $4  }
0x81: {  	s30 =	sadd.s32 $0x384, s28  }
0x82: {  	[hbm4b:s30+s14] =	stream.strided.scatter [tilespmem:s18], [sflag:$0x4], $0x700, s9, s14, $0x38;
	[tilespmem:$0x7800] =	vst v63  }
0x83: {  	s26 =	sadd.s32 $0x38C, s28;
	s31 =	sadd.s32 $0x388, s28;
	s23 =	sadd.s32 $0x200, s23  }
0x84: {  	[hbm4b:s31+s14] =	stream.strided.scatter [tilespmem:s12], [sflag:$0x4], $0x700, s9, s14, $0x38;
	[tilespmem:$0x7800] =	vst v63  }
0x85: {  	s0 =	simm.s32 @!p0 $0x4  }
0x86: {  	[hbm4b:s26+s14] =	stream.strided.scatter [tilespmem:s19], [sflag:$0x4], $0x700, s9, s14, $0x38;
	[tilespmem:$0x7800] =	vst v63  }
0x87: {  	_ =	swait.ge @!p0 [sflag:s0], $0x700  }
0x88: {  	[sflag:s0] =	ssyncset.done @!p0 $0x0  }
0x89: {  	[sflag:s0] =	ssyncadd.s32 @!p0 $0xFFFFF900  }
0x8a: {  	_ =	swait.ge @!p0 [sflag:s0], $0x700  }
0x8b: {  	[sflag:s0] =	ssyncset.done @!p0 $0x0  }
0x8c: {  	[sflag:s0] =	ssyncadd.s32 @!p0 $0xFFFFF900  }
0x8d: {  	_ =	swait.ge @!p0 [sflag:s0], $0x700  }
0x8e: {  	[sflag:s0] =	ssyncset.done @!p0 $0x0  }
0x8f: {  	[sflag:s0] =	ssyncadd.s32 @!p0 $0xFFFFF900  }
0x90: {  	_ =	swait.ge @!p0 [sflag:s0], $0x700  }
0x91: {  	[sflag:s0] =	ssyncset.done @!p0 $0x0  }
0x92: {  	s30 =	sadd.s32 $0xFFFFFE80, s23;
	[sflag:s0] =	ssyncadd.s32 @!p0 $0xFFFFF900  }
0x93: {  	[tilespmem:s11], [sflag:$0x2] =	stream.indirect.gather [hbm4b:s3+s7], $0x20, s30, s7, $0xb8;
	[tilespmem:$0x7800] =	vst v63  }
0x94: {  	s31 =	sadd.s32 $0xFFFFFF00, s23  }
0x95: {  	[tilespmem:s12], [sflag:$0x2] =	stream.indirect.gather [hbm4b:s3+s7], $0x20, s31, s7, $0xb8;
	[tilespmem:$0x7800] =	vst v63  }
0x96: {  	_ =	swait.ge [sflag:s13], $0xE00  }
0x97: {  	[sflag:s13] =	ssyncset.done $0x0  }
0x98: {  	[sflag:s13] =	ssyncadd.s32 $0xFFFFF200  }
0x99: {  	_ =	swait.ge [sflag:s13], $0xE00  }
0x9a: {  	s25 =	rddreg [dreg:$0x3];
	[sflag:s13] =	ssyncset.done $0x0  }
0x9b: {  	[sflag:s13] =	ssyncadd.s32 $0xFFFFF200;
	s0 =	sadd.s32 s24, s25  }
0x9c: {  	[hbm4b:s0+s14] =	stream.strided.scatter [tilespmem:s8], [sflag:$0x3], $0x700, s9, s14, $0x38;
	[tilespmem:$0x7800] =	vst v63  }
0x9d: {  	s25 =	sadd.s32 $0x4, s0  }
0x9e: {  	[hbm4b:s25+s14] =	stream.strided.scatter [tilespmem:s15], [sflag:$0x3], $0x700, s9, s14, $0x38;
	[tilespmem:$0x7800] =	vst v63  }
0x9f: {  	p0 =	seq.s32 s24, $0xD900;
	s26 =	sadd.s32 $0x8, s0  }
0xa0: {  	[hbm4b:s26+s14] =	stream.strided.scatter [tilespmem:s10], [sflag:$0x3], $0x700, s9, s14, $0x38;
	[tilespmem:$0x7800] =	vst v63  }
0xa1: {  	s24 =	simm.s32 @!p0 $0x3;
	s28 =	sadd.s32 $0xC, s0  }
0xa2: {  	[hbm4b:s28+s14] =	stream.strided.scatter [tilespmem:s16], [sflag:$0x3], $0x700, s9, s14, $0x38;
	[tilespmem:$0x7800] =	vst v63  }
0xa3: {  	_ =	swait.ge @!p0 [sflag:s24], $0x700  }
0xa4: {  	[sflag:s24] =	ssyncset.done @!p0 $0x0  }
0xa5: {  	[sflag:s24] =	ssyncadd.s32 @!p0 $0xFFFFF900  }
0xa6: {  	_ =	swait.ge @!p0 [sflag:s24], $0x700  }
0xa7: {  	[sflag:s24] =	ssyncset.done @!p0 $0x0  }
0xa8: {  	[sflag:s24] =	ssyncadd.s32 @!p0 $0xFFFFF900  }
0xa9: {  	_ =	swait.ge @!p0 [sflag:s24], $0x700  }
0xaa: {  	[sflag:s24] =	ssyncset.done @!p0 $0x0  }
0xab: {  	[sflag:s24] =	ssyncadd.s32 @!p0 $0xFFFFF900  }
0xac: {  	_ =	swait.ge @!p0 [sflag:s24], $0x700  }
0xad: {  	s25 =	simm.s32 @!p0 $0x4000;
	[sflag:s24] =	ssyncset.done @!p0 $0x0  }
0xae: {  	s26 =	sadd.s32 @!p0 $0xFFFFFF80, s23;
	s28 =	simm.s32 @!p0 $0x70;
	[sflag:s24] =	ssyncadd.s32 @!p0 $0xFFFFF900  }
0xaf: {  	[tilespmem:s25], [sflag:$0x1] =	stream.indirect.gather @!p0 [hbm4b:s3+s28], $0x20, s26, s28, $0xb8;
	[tilespmem:$0x7800] =	vst v63  }
0xb0: {  	s24 =	simm.s32 @!p0 $0x4E00  }
0xb1: {  	[tilespmem:s24], [sflag:$0x1] =	stream.indirect.gather @!p0 [hbm4b:s3+s28], $0x20, s23, s28, $0xb8;
	[tilespmem:$0x7800] =	vst v63  }
0xb2: {  	_ =	swait.ge [sflag:s17], $0xE00  }
0xb3: {  	[sflag:s17] =	ssyncset.done $0x0  }
0xb4: {  	[sflag:s17] =	ssyncadd.s32 $0xFFFFF200  }
0xb5: {  	_ =	swait.ge [sflag:s17], $0xE00  }
0xb6: {  	[sflag:s17] =	ssyncset.done $0x0  }
0xb7: {  	s29 =	sadd.s32 $0x380, s0;
	[sflag:s17] =	ssyncadd.s32 $0xFFFFF200  }
0xb8: {  	[hbm4b:s29+s14] =	stream.strided.scatter [tilespmem:s11], [sflag:$0x4], $0x700, s9, s14, $0x38;
	[tilespmem:$0x7800] =	vst v63  }
0xb9: {  	s30 =	sadd.s32 $0x384, s0  }
0xba: {  	[hbm4b:s30+s14] =	stream.strided.scatter [tilespmem:s18], [sflag:$0x4], $0x700, s9, s14, $0x38;
	[tilespmem:$0x7800] =	vst v63  }
0xbb: {  	s31 =	sadd.s32 $0x388, s0  }
0xbc: {  	[hbm4b:s31+s14] =	stream.strided.scatter [tilespmem:s12], [sflag:$0x4], $0x700, s9, s14, $0x38;
	[tilespmem:$0x7800] =	vst v63  }
0xbd: {  	s0 =	sadd.s32 $0x38C, s0  }
0xbe: {  	[hbm4b:s0+s14] =	stream.strided.scatter [tilespmem:s19], [sflag:$0x4], $0x700, s9, s14, $0x38;
	[tilespmem:$0x7800] =	vst v63  }
0xbf: {  	_ =	swait.ge [sflag:s20], $0x700  }
0xc0: {  	[sflag:s20] =	ssyncset.done $0x0  }
0xc1: {  	[sflag:s20] =	ssyncadd.s32 $0xFFFFF900  }
0xc2: {  	_ =	swait.ge [sflag:s20], $0x700  }
0xc3: {  	[sflag:s20] =	ssyncset.done $0x0  }
0xc4: {  	[sflag:s20] =	ssyncadd.s32 $0xFFFFF900  }
0xc5: {  	_ =	swait.ge [sflag:s20], $0x700  }
0xc6: {  	[sflag:s20] =	ssyncset.done $0x0  }
0xc7: {  	[sflag:s20] =	ssyncadd.s32 $0xFFFFF900  }
0xc8: {  	_ =	swait.ge [sflag:s20], $0x700  }
0xc9: {  	[sflag:s20] =	ssyncset.done $0x0  }
0xca: {  	[sflag:s20] =	ssyncadd.s32 $0xFFFFF900  }
0xcb: {  	_ =	swait.ge [sflag:s21], $0x700  }
0xcc: {  	[sflag:s21] =	ssyncset.done $0x0  }
0xcd: {  	[sflag:s21] =	ssyncadd.s32 $0xFFFFF900  }
0xce: {  	_ =	swait.ge [sflag:s21], $0x700  }
0xcf: {  	[sflag:s21] =	ssyncset.done $0x0  }
0xd0: {  	s22 =	sadd.s32 $0x1, s22;
	[sflag:s21] =	ssyncadd.s32 $0xFFFFF900  }
0xd1: {  	p0 =	sne.s32 s22, s5;
	_ =	swait.ge [sflag:s21], $0x700  }
.Ltmp1:
0xd2: {  	[sflag:s21] =	ssyncset.done $0x0;
	(pc) =	sbr.rel @p0 .LBB2_1-.Ltmp1, $4  }
0xd3: {  	[sflag:s21] =	ssyncadd.s32 $0xFFFFF900  }
0xd4: {  	_ =	swait.ge [sflag:s21], $0x700  }
0xd5: {  	[sflag:s21] =	ssyncset.done $0x0  }
0xd6: {  	[sflag:s21] =	ssyncadd.s32 $0xFFFFF900  }
0xd7: {  	_ =	sfence.sel $0x180000  }
0xd8: {  	[bflag:$0x0] =	sbarrier.arrive $0xFFFF  }
0xd9: {  	_ =	strace $0x90000047  }
0xda: {  	[bflag:$0x2] =	sbarrier.arrive $0xFFFF  }
0xdb: {  	p0 =	sne.s32 s1, $0x0;
	s0 =	rddreg [dreg:$0x2]  }
0xdc: {  	s0 =	sadd.s32 @!p0 $0x100000, s0  }
0xdd: {  	[sflag:s0] =	ssyncadd.tile.s32 @!p0 $0x1;
	_ =	shalt  }
.Lfunc_end2:
_tile_overlayer_lowered:
.L_overlay_start_2:
0xde: {  	(tag) =	ssettag $0x2  }
0xdf: {  	s0 =	rddreg [dreg:$0x0];
	s2 =	stileid.u32  }
0xe0: {  	s1 =	rddreg [dreg:$0x1];
	p0 =	sne.s32 s2, $0x0  }
0xe1: {  	s3 =	rddreg [dreg:$0x2];
	[bflag:$0x3] =	sbarrier.arrive $0xFFFF;
	s2 =	simm.s32 @!p0 $0x1C05  }
0xe2: {  	[timem:s3], [sflag:s2] =	dma.local @!p0 [hbm:s0], s1  }
0xe3: {  	s0 =	simm.s32 @!p0 $0x5  }
0xe4: {  	_ =	swait.ge @!p0 [sflag:s0], s1  }
0xe5: {  	s1 =	ssub.s32 @!p0 $0x0, s1;
	[sflag:s0] =	ssyncset.done @!p0 $0x0  }
0xe6: {  	[sflag:s0] =	ssyncadd.s32 @!p0 s1  }
0xe7: {  	[bflag:$0x3] =	sbarrier.arrive $0xFFFF  }
0xe8: {  	_ =	shalt  }

</sc_bundles>
